<compile_context>
chip_gen: v7x
topology: tpu7x:2x2x1
jax: 0.10.2.dev20260603
libtpu: 0.0.44.dev20260713+nightly
codegen_flags: <defaults>
</compile_context>

<pallas_src>
import jax
import jax.numpy as jnp
from jax import lax
from jax.experimental import pallas as pl
from jax.experimental.pallas import tpu as pltpu
from jax.experimental.pallas import tpu_sc as plsc

_NC = 2
_NS = 16
_CH = 128
_G = 64


def _edge_agg_sc(y, src_t, dst_t, z_feat, z_cnt, ones_blk, nrows, n_chunks,
                 k0, with_cnt):
  w = y.shape[1]
  rpt = nrows // _NS
  mesh = plsc.VectorSubcoreMesh(core_axis_name="c", subcore_axis_name="s",
                                num_cores=_NC, num_subcores=_NS)
  outs = [jax.ShapeDtypeStruct((_NC, nrows, w), jnp.float32)]
  scratch = [
      pltpu.VMEM_SHARED((nrows, w), jnp.float32),
      pltpu.VMEM((n_chunks, _CH), jnp.int32),
      pltpu.VMEM((n_chunks, _CH), jnp.int32),
      pltpu.VMEM((_CH, w), jnp.float32),
      pltpu.SemaphoreType.DMA,
  ]
  if with_cnt:
    outs.append(jax.ShapeDtypeStruct((_NC, nrows, 16), jnp.float32))
    scratch += [
        pltpu.VMEM_SHARED((nrows, 16), jnp.float32),
        pltpu.VMEM((_CH, 16), jnp.float32),
    ]

  def body(*refs):
    if with_cnt:
      (y_h, src_h, dst_h, zf_h, zc_h, ones_h, agg_o, cnt_o,
       agg_sh, src_v, dst_v, rows_a, sem_a, cnt_sh, ones_v) = refs
    else:
      (y_h, src_h, dst_h, zf_h, agg_o,
       agg_sh, src_v, dst_v, rows_a, sem_a) = refs
    c = lax.axis_index("c")
    s = lax.axis_index("s")
    r0 = s * rpt
    pltpu.sync_copy(zf_h.at[pl.ds(r0, rpt)], agg_sh.at[pl.ds(r0, rpt)])
    if with_cnt:
      pltpu.sync_copy(zc_h.at[pl.ds(r0, rpt)], cnt_sh.at[pl.ds(r0, rpt)])
      pltpu.sync_copy(ones_h, ones_v)
    pltpu.sync_copy(src_h.at[c, s], src_v)
    pltpu.sync_copy(dst_h.at[c, s], dst_v)
    plsc.subcore_barrier()

    myk = jnp.where(c == 0, k0, n_chunks)

    @pl.loop(0, myk)
    def _(j):
      pltpu.async_copy(y_h.at[src_v.at[j]], rows_a, sem_a).wait()
      pltpu.sync_copy(rows_a, agg_sh.at[dst_v.at[j]], add=True)
      if with_cnt:
        pltpu.sync_copy(ones_v, cnt_sh.at[dst_v.at[j]], add=True)

    plsc.subcore_barrier()
    pltpu.sync_copy(agg_sh.at[pl.ds(r0, rpt)], agg_o.at[c, pl.ds(r0, rpt)])
    if with_cnt:
      pltpu.sync_copy(cnt_sh.at[pl.ds(r0, rpt)], cnt_o.at[c, pl.ds(r0, rpt)])

  kern = pl.kernel(
      body, out_type=tuple(outs), mesh=mesh, scratch_types=scratch,
      compiler_params=pltpu.CompilerParams(use_tc_tiling_on_sc=False))
  if with_cnt:
    return kern(y, src_t, dst_t, z_feat, z_cnt, ones_blk)
  return kern(y, src_t, dst_t, z_feat)[0]


def kernel(x, edge_index, batch, Wl1, bl1, Wr1, Wl2, bl2, Wr2, W3, b3, W4,
           b4):
  n, d = x.shape
  h = Wl1.shape[0]
  e = edge_index.shape[1]
  f32 = jnp.float32
  bf16 = jnp.bfloat16

  tiles = _NC * _NS
  total_chunks = -(-e // (_CH * _NS))
  k0 = int(round(total_chunks * 0.47))
  n_chunks = total_chunks - k0
  e_pad = _NS * total_chunks * _CH
  nrows = -(-(n + 1) // (_NS * 8)) * (_NS * 8)

  src = edge_index[0]
  dst = edge_index[1]
  pad = e_pad - e
  def _split(a):
    a = a.reshape(_NS, total_chunks, _CH)
    a0 = jnp.pad(a[:, :k0], ((0, 0), (0, n_chunks - k0), (0, 0)))
    return jnp.stack([a0, a[:, k0:]])
  src_t = _split(jnp.concatenate([src, jnp.zeros((pad,), jnp.int32)]))
  dst_t = _split(jnp.concatenate([dst, jnp.full((pad,), n, jnp.int32)]))
  z_feat = jnp.zeros((nrows, h), f32)
  z_cnt = jnp.zeros((nrows, 16), f32)
  ones_blk = jnp.ones((_CH, 16), f32)

  w1cat = jnp.concatenate([Wl1.T, Wr1.T], axis=1)

  def _mm1(x_ref, w_ref, y_ref, r_ref):
    o = jnp.dot(x_ref[...].astype(bf16), w_ref[...].astype(bf16),
                preferred_element_type=f32)
    y_ref[...] = o[:, :h]
    r_ref[...] = o[:, h:]

  y1, r1 = pl.pallas_call(
      _mm1,
      out_shape=(jax.ShapeDtypeStruct((n, h), f32),
                 jax.ShapeDtypeStruct((n, h), f32)),
  )(x, w1cat)

  agg1, cntp = _edge_agg_sc(y1, src_t, dst_t, z_feat, z_cnt, ones_blk,
                            nrows, n_chunks, k0, True)

  w2cat = jnp.concatenate([Wl2.T, Wr2.T], axis=1)
  bl1r = bl1.reshape(1, h)

  def _mid(a0_ref, a1_ref, c0_ref, c1_ref, r_ref, b_ref, w_ref,
           y_ref, r2_ref, cnt_ref):
    cnt_v = jnp.maximum(c0_ref[...] + c1_ref[...], 1.0)
    h1 = jax.nn.relu((a0_ref[...] + a1_ref[...]) / cnt_v + b_ref[...]
                     + r_ref[...])
    o = jnp.dot(h1.astype(bf16), w_ref[...].astype(bf16),
                preferred_element_type=f32)
    y_ref[...] = o[:, :h]
    r2_ref[...] = o[:, h:]
    cnt_ref[...] = cnt_v

  y2, r2, cnt = pl.pallas_call(
      _mid,
      out_shape=(jax.ShapeDtypeStruct((n, h), f32),
                 jax.ShapeDtypeStruct((n, h), f32),
                 jax.ShapeDtypeStruct((n, 1), f32)),
  )(agg1[0, :n], agg1[1, :n], cntp[0, :n, :1], cntp[1, :n, :1], r1, bl1r,
    w2cat)

  agg2 = _edge_agg_sc(y2, src_t, dst_t, z_feat, None, None,
                      nrows, n_chunks, k0, False)

  bl2r = bl2.reshape(1, h)
  batch_row = batch.reshape(1, n)
  w3t = W3.T
  b3r = b3.reshape(1, -1)
  w4t = W4.T
  b4r = b4.reshape(1, -1)

  def _head(a0_ref, a1_ref, cnt_ref, r_ref, b_ref, bat_ref,
            w3_ref, b3_ref, w4_ref, b4_ref, out_ref):
    h2 = jax.nn.relu((a0_ref[...] + a1_ref[...]) / cnt_ref[...] + b_ref[...]
                     + r_ref[...])
    onehot_t = (lax.broadcasted_iota(jnp.int32, (_G, n), 0)
                == bat_ref[...]).astype(bf16)
    pooled_sum = jnp.dot(onehot_t, h2.astype(bf16),
                         preferred_element_type=f32)
    counts = jnp.dot(onehot_t, jnp.ones((n, 1), bf16),
                     preferred_element_type=f32)
    pooled = pooled_sum / jnp.maximum(counts, 1.0)
    z = jax.nn.relu(jnp.dot(pooled.astype(bf16), w3_ref[...].astype(bf16),
                            preferred_element_type=f32) + b3_ref[...])
    out_ref[...] = jnp.dot(z.astype(bf16), w4_ref[...].astype(bf16),
                           preferred_element_type=f32) + b4_ref[...]

  out = pl.pallas_call(
      _head,
      out_shape=jax.ShapeDtypeStruct((_G, W4.shape[0]), f32),
  )(agg2[0, :n], agg2[1, :n], cnt, r2, bl2r, batch_row, w3t, b3r, w4t, b4r)
  return out

# --- scband reference (transcript-rebuilt; emitter-appended) ---
"""Pipeline reference for scband-graph-sage-ids-8693013807482 (READ-ONLY COPY).

The authoritative reference and input builder live on the scoring server;
editing this copy changes nothing except your own understanding.
"""

import jax, jax.numpy as jnp
import numpy as np

N = 10000
E = 320000
D = 128
H = 64
G = 64


def setup_inputs(seed: int = 0) -> dict:
    key = jax.random.key(seed)
    ks = jax.random.split(key, 16)
    x = jax.random.normal(ks[0], (N, D), dtype=jnp.float32)
    edge_index = jax.random.randint(ks[1], (2, E), 0, N, dtype=jnp.int32)
    batch = jnp.sort(jax.random.randint(ks[2], (N,), 0, G, dtype=jnp.int32))
    s = 0.05
    Wl1 = jax.random.normal(ks[3], (H, D), dtype=jnp.float32) * s
    bl1 = jnp.zeros((H,), dtype=jnp.float32)
    Wr1 = jax.random.normal(ks[4], (H, D), dtype=jnp.float32) * s
    Wl2 = jax.random.normal(ks[5], (H, H), dtype=jnp.float32) * s
    bl2 = jnp.zeros((H,), dtype=jnp.float32)
    Wr2 = jax.random.normal(ks[6], (H, H), dtype=jnp.float32) * s
    W3 = jax.random.normal(ks[7], (32, H), dtype=jnp.float32) * s
    b3 = jnp.zeros((32,), dtype=jnp.float32)
    W4 = jax.random.normal(ks[8], (2, 32), dtype=jnp.float32) * s
    b4 = jnp.zeros((2,), dtype=jnp.float32)
    return {"x": x, "edge_index": edge_index, "batch": batch,
            "Wl1": Wl1, "bl1": bl1, "Wr1": Wr1,
            "Wl2": Wl2, "bl2": bl2, "Wr2": Wr2,
            "W3": W3, "b3": b3, "W4": W4, "b4": b4}


def _sage_conv(x, edge_index, Wl, bl, Wr):
    # PyG SAGEConv with mean aggregation:
    # out = lin_l(mean_{j in N(i)} x_j) + lin_r(x_i)
    src = edge_index[0]
    dst = edge_index[1]
    msg = jnp.take(x, src, axis=0)
    agg_sum = jax.ops.segment_sum(msg, dst, num_segments=N)
    cnt = jax.ops.segment_sum(jnp.ones((msg.shape[0],), dtype=x.dtype), dst, num_segments=N)
    agg = agg_sum / jnp.clip(cnt, 1.0, None)[:, None]
    return agg @ Wl.T + bl + x @ Wr.T


def reference(x, edge_index, batch, Wl1, bl1, Wr1, Wl2, bl2, Wr2, W3, b3, W4, b4):
    h = _sage_conv(x, edge_index, Wl1, bl1, Wr1)
    h = jax.nn.relu(h)
    # dropout is identity in eval mode
    h = _sage_conv(h, edge_index, Wl2, bl2, Wr2)
    h = jax.nn.relu(h)
    # global_mean_pool over graph assignment
    pooled_sum = jax.ops.segment_sum(h, batch, num_segments=G)
    counts = jax.ops.segment_sum(jnp.ones((h.shape[0],), dtype=h.dtype), batch, num_segments=G)
    pooled = pooled_sum / jnp.clip(counts, 1.0, None)[:, None]
    z = jax.nn.relu(pooled @ W3.T + b3)
    out = z @ W4.T + b4
    return out

if __name__ == "__main__":
    import jax
    _d = setup_inputs()
    print(jax.jit(kernel)(*tuple(_d.values())))

</pallas_src>

<mosaic_0001>
#map = affine_map<(d0, d1) -> (0, 0)>
#map1 = affine_map<(d0, d1) -> (0, 0, 0, 0)>
#map2 = affine_map<(d0, d1) -> (0, 0, 0)>
module attributes {stable_mosaic.version = 14 : i64} {
  func.func @body(%arg0: i32, %arg1: i32, %arg2: memref<10000x64xf32, #tpu.memory_space<hbm>>, %arg3: memref<2x16x83x128xi32, #tpu.memory_space<hbm>>, %arg4: memref<2x16x83x128xi32, #tpu.memory_space<hbm>>, %arg5: memref<10112x64xf32, #tpu.memory_space<hbm>>, %arg6: memref<10112x16xf32, #tpu.memory_space<hbm>>, %arg7: memref<128x16xf32, #tpu.memory_space<hbm>>, %arg8: memref<2x10112x64xf32, #tpu.memory_space<hbm>>, %arg9: memref<2x10112x16xf32, #tpu.memory_space<hbm>>, %arg10: memref<10112x64xf32, #tpu.memory_space<vmem_shared>>, %arg11: memref<83x128xi32, #tpu.memory_space<vmem>>, %arg12: memref<83x128xi32, #tpu.memory_space<vmem>>, %arg13: memref<128x64xf32, #tpu.memory_space<vmem>>, %arg14: memref<!tpu.dma_semaphore, #tpu.memory_space<semaphore_mem>>, %arg15: memref<10112x16xf32, #tpu.memory_space<vmem_shared>>, %arg16: memref<128x16xf32, #tpu.memory_space<vmem>>) attributes {dimension_semantics = [#tpu.dimension_semantics<core_parallel>, #tpu.dimension_semantics<subcore_parallel>], iteration_bounds = array<i64: 2, 16>, scalar_prefetch = 0 : i64, scratch_operands = 7 : i64, tpu.core_type = #tpu.core_type<sc_vector_subcore>, window_params = [{transform_indices = #map}, {transform_indices = #map1}, {transform_indices = #map1}, {transform_indices = #map}, {transform_indices = #map}, {transform_indices = #map}, {transform_indices = #map2}, {transform_indices = #map2}]} {
    %mul3A = arith.constant 632 : i32
    %mul3A_0 = arith.muli %arg1, %mul3A : i32
    "tpu.region"() ({
      %run_scoped3A = tpu.sem_alloc : memref<!tpu.dma_semaphore, #tpu.memory_space<semaphore_mem>>
      %dma_start3A = arith.constant 0 : i32
      %dma_start3A_19 = tpu.memref_slice %arg10[%mul3A_0, %dma_start3A] : memref<10112x64xf32, #tpu.memory_space<vmem_shared>> -> memref<632x64xf32, #tpu.memory_space<vmem_shared>>
      %dma_start3A_20 = arith.constant 0 : i32
      %dma_start3A_21 = tpu.memref_slice %arg5[%mul3A_0, %dma_start3A_20] : memref<10112x64xf32, #tpu.memory_space<hbm>> -> memref<632x64xf32, #tpu.memory_space<hbm>>
      tpu.enqueue_dma source(%dma_start3A_21 : memref<632x64xf32, #tpu.memory_space<hbm>>) target(%dma_start3A_19 : memref<632x64xf32, #tpu.memory_space<vmem_shared>>) target_semaphore(%run_scoped3A : memref<!tpu.dma_semaphore, #tpu.memory_space<semaphore_mem>>)
      %dma_wait3A = arith.constant 0 : i32
      %dma_wait3A_22 = tpu.memref_slice %arg10[%mul3A_0, %dma_wait3A] : memref<10112x64xf32, #tpu.memory_space<vmem_shared>> -> memref<632x64xf32, #tpu.memory_space<vmem_shared>>
      %dma_wait3A_23 = arith.constant 0 : i32
      %dma_wait3A_24 = tpu.memref_slice %arg5[%mul3A_0, %dma_wait3A_23] : memref<10112x64xf32, #tpu.memory_space<hbm>> -> memref<632x64xf32, #tpu.memory_space<hbm>>
      tpu.wait_dma2 semaphore(%run_scoped3A : memref<!tpu.dma_semaphore, #tpu.memory_space<semaphore_mem>>) src(%dma_wait3A_24 : memref<632x64xf32, #tpu.memory_space<hbm>>) dst(%dma_wait3A_22 : memref<632x64xf32, #tpu.memory_space<vmem_shared>>)
      tpu.yield
    }) : () -> ()
    "tpu.region"() ({
      %run_scoped3A = tpu.sem_alloc : memref<!tpu.dma_semaphore, #tpu.memory_space<semaphore_mem>>
      %dma_start3A = arith.constant 0 : i32
      %dma_start3A_19 = tpu.memref_slice %arg15[%mul3A_0, %dma_start3A] : memref<10112x16xf32, #tpu.memory_space<vmem_shared>> -> memref<632x16xf32, #tpu.memory_space<vmem_shared>>
      %dma_start3A_20 = arith.constant 0 : i32
      %dma_start3A_21 = tpu.memref_slice %arg6[%mul3A_0, %dma_start3A_20] : memref<10112x16xf32, #tpu.memory_space<hbm>> -> memref<632x16xf32, #tpu.memory_space<hbm>>
      tpu.enqueue_dma source(%dma_start3A_21 : memref<632x16xf32, #tpu.memory_space<hbm>>) target(%dma_start3A_19 : memref<632x16xf32, #tpu.memory_space<vmem_shared>>) target_semaphore(%run_scoped3A : memref<!tpu.dma_semaphore, #tpu.memory_space<semaphore_mem>>)
      %dma_wait3A = arith.constant 0 : i32
      %dma_wait3A_22 = tpu.memref_slice %arg15[%mul3A_0, %dma_wait3A] : memref<10112x16xf32, #tpu.memory_space<vmem_shared>> -> memref<632x16xf32, #tpu.memory_space<vmem_shared>>
      %dma_wait3A_23 = arith.constant 0 : i32
      %dma_wait3A_24 = tpu.memref_slice %arg6[%mul3A_0, %dma_wait3A_23] : memref<10112x16xf32, #tpu.memory_space<hbm>> -> memref<632x16xf32, #tpu.memory_space<hbm>>
      tpu.wait_dma2 semaphore(%run_scoped3A : memref<!tpu.dma_semaphore, #tpu.memory_space<semaphore_mem>>) src(%dma_wait3A_24 : memref<632x16xf32, #tpu.memory_space<hbm>>) dst(%dma_wait3A_22 : memref<632x16xf32, #tpu.memory_space<vmem_shared>>)
      tpu.yield
    }) : () -> ()
    "tpu.region"() ({
      %run_scoped3A = tpu.sem_alloc : memref<!tpu.dma_semaphore, #tpu.memory_space<semaphore_mem>>
      tpu.enqueue_dma source(%arg7 : memref<128x16xf32, #tpu.memory_space<hbm>>) target(%arg16 : memref<128x16xf32, #tpu.memory_space<vmem>>) target_semaphore(%run_scoped3A : memref<!tpu.dma_semaphore, #tpu.memory_space<semaphore_mem>>)
      tpu.wait_dma2 semaphore(%run_scoped3A : memref<!tpu.dma_semaphore, #tpu.memory_space<semaphore_mem>>) src(%arg7 : memref<128x16xf32, #tpu.memory_space<hbm>>) dst(%arg16 : memref<128x16xf32, #tpu.memory_space<vmem>>)
      tpu.yield
    }) : () -> ()
    "tpu.region"() ({
      %run_scoped3A = tpu.sem_alloc : memref<!tpu.dma_semaphore, #tpu.memory_space<semaphore_mem>>
      %dma_start3A = arith.constant 0 : i32
      %dma_start3A_19 = arith.constant 0 : i32
      %dma_start3A_20 = tpu.memref_slice %arg3[%arg0, %arg1, %dma_start3A, %dma_start3A_19] : memref<2x16x83x128xi32, #tpu.memory_space<hbm>> -> memref<1x1x83x128xi32, #tpu.memory_space<hbm>>
      %dma_start3A_21 = tpu.memref_squeeze %dma_start3A_20 : memref<1x1x83x128xi32, #tpu.memory_space<hbm>> -> memref<83x128xi32, #tpu.memory_space<hbm>>
      %dma_start3A_22 = arith.constant 0 : i32
      %dma_start3A_23 = arith.constant 0 : i32
      %dma_start3A_24 = tpu.memref_slice %arg3[%arg0, %arg1, %dma_start3A_22, %dma_start3A_23] : memref<2x16x83x128xi32, #tpu.memory_space<hbm>> -> memref<1x1x83x128xi32, #tpu.memory_space<hbm>>
      %dma_start3A_25 = tpu.memref_squeeze %dma_start3A_24 : memref<1x1x83x128xi32, #tpu.memory_space<hbm>> -> memref<83x128xi32, #tpu.memory_space<hbm>>
      tpu.enqueue_dma source(%dma_start3A_25 : memref<83x128xi32, #tpu.memory_space<hbm>>) target(%arg11 : memref<83x128xi32, #tpu.memory_space<vmem>>) target_semaphore(%run_scoped3A : memref<!tpu.dma_semaphore, #tpu.memory_space<semaphore_mem>>)
      %dma_wait3A = arith.constant 0 : i32
      %dma_wait3A_26 = arith.constant 0 : i32
      %dma_wait3A_27 = tpu.memref_slice %arg3[%arg0, %arg1, %dma_wait3A, %dma_wait3A_26] : memref<2x16x83x128xi32, #tpu.memory_space<hbm>> -> memref<1x1x83x128xi32, #tpu.memory_space<hbm>>
      %dma_wait3A_28 = tpu.memref_squeeze %dma_wait3A_27 : memref<1x1x83x128xi32, #tpu.memory_space<hbm>> -> memref<83x128xi32, #tpu.memory_space<hbm>>
      %dma_wait3A_29 = arith.constant 0 : i32
      %dma_wait3A_30 = arith.constant 0 : i32
      %dma_wait3A_31 = tpu.memref_slice %arg3[%arg0, %arg1, %dma_wait3A_29, %dma_wait3A_30] : memref<2x16x83x128xi32, #tpu.memory_space<hbm>> -> memref<1x1x83x128xi32, #tpu.memory_space<hbm>>
      %dma_wait3A_32 = tpu.memref_squeeze %dma_wait3A_31 : memref<1x1x83x128xi32, #tpu.memory_space<hbm>> -> memref<83x128xi32, #tpu.memory_space<hbm>>
      tpu.wait_dma2 semaphore(%run_scoped3A : memref<!tpu.dma_semaphore, #tpu.memory_space<semaphore_mem>>) src(%dma_wait3A_32 : memref<83x128xi32, #tpu.memory_space<hbm>>) dst(%arg11 : memref<83x128xi32, #tpu.memory_space<vmem>>)
      tpu.yield
    }) : () -> ()
    "tpu.region"() ({
      %run_scoped3A = tpu.sem_alloc : memref<!tpu.dma_semaphore, #tpu.memory_space<semaphore_mem>>
      %dma_start3A = arith.constant 0 : i32
      %dma_start3A_19 = arith.constant 0 : i32
      %dma_start3A_20 = tpu.memref_slice %arg4[%arg0, %arg1, %dma_start3A, %dma_start3A_19] : memref<2x16x83x128xi32, #tpu.memory_space<hbm>> -> memref<1x1x83x128xi32, #tpu.memory_space<hbm>>
      %dma_start3A_21 = tpu.memref_squeeze %dma_start3A_20 : memref<1x1x83x128xi32, #tpu.memory_space<hbm>> -> memref<83x128xi32, #tpu.memory_space<hbm>>
      %dma_start3A_22 = arith.constant 0 : i32
      %dma_start3A_23 = arith.constant 0 : i32
      %dma_start3A_24 = tpu.memref_slice %arg4[%arg0, %arg1, %dma_start3A_22, %dma_start3A_23] : memref<2x16x83x128xi32, #tpu.memory_space<hbm>> -> memref<1x1x83x128xi32, #tpu.memory_space<hbm>>
      %dma_start3A_25 = tpu.memref_squeeze %dma_start3A_24 : memref<1x1x83x128xi32, #tpu.memory_space<hbm>> -> memref<83x128xi32, #tpu.memory_space<hbm>>
      tpu.enqueue_dma source(%dma_start3A_25 : memref<83x128xi32, #tpu.memory_space<hbm>>) target(%arg12 : memref<83x128xi32, #tpu.memory_space<vmem>>) target_semaphore(%run_scoped3A : memref<!tpu.dma_semaphore, #tpu.memory_space<semaphore_mem>>)
      %dma_wait3A = arith.constant 0 : i32
      %dma_wait3A_26 = arith.constant 0 : i32
      %dma_wait3A_27 = tpu.memref_slice %arg4[%arg0, %arg1, %dma_wait3A, %dma_wait3A_26] : memref<2x16x83x128xi32, #tpu.memory_space<hbm>> -> memref<1x1x83x128xi32, #tpu.memory_space<hbm>>
      %dma_wait3A_28 = tpu.memref_squeeze %dma_wait3A_27 : memref<1x1x83x128xi32, #tpu.memory_space<hbm>> -> memref<83x128xi32, #tpu.memory_space<hbm>>
      %dma_wait3A_29 = arith.constant 0 : i32
      %dma_wait3A_30 = arith.constant 0 : i32
      %dma_wait3A_31 = tpu.memref_slice %arg4[%arg0, %arg1, %dma_wait3A_29, %dma_wait3A_30] : memref<2x16x83x128xi32, #tpu.memory_space<hbm>> -> memref<1x1x83x128xi32, #tpu.memory_space<hbm>>
      %dma_wait3A_32 = tpu.memref_squeeze %dma_wait3A_31 : memref<1x1x83x128xi32, #tpu.memory_space<hbm>> -> memref<83x128xi32, #tpu.memory_space<hbm>>
      tpu.wait_dma2 semaphore(%run_scoped3A : memref<!tpu.dma_semaphore, #tpu.memory_space<semaphore_mem>>) src(%dma_wait3A_32 : memref<83x128xi32, #tpu.memory_space<hbm>>) dst(%arg12 : memref<83x128xi32, #tpu.memory_space<vmem>>)
      tpu.yield
    }) : () -> ()
    %barrier3A = arith.constant 0 : index
    tpu.barrier barrier_id(%barrier3A)
    %eq3A = arith.constant 0 : i32
    %eq3A_1 = arith.cmpi eq, %arg0, %eq3A : i32
    %jit3A = arith.constant 74 : i32
    %jit3A_2 = arith.constant 83 : i32
    %select_n3A = arith.select %eq3A_1, %jit3A, %jit3A_2 : i32
    %sub3A = arith.constant 0 : i32
    %sub3A_3 = arith.subi %select_n3A, %sub3A : i32
    %sub3A_4 = arith.constant 1 : i32
    %sub3A_5 = arith.constant 1 : i32
    %sub3A_6 = arith.subi %sub3A_4, %sub3A_5 : i32
    %add3A = arith.addi %sub3A_3, %sub3A_6 : i32
    %div3A = arith.constant 1 : i32
    %div3A_7 = arith.divsi %add3A, %div3A : i32
    %while3A = arith.constant 1 : i32
    %while3A_8 = arith.constant 0 : i32
    %while3A_9 = arith.constant 0 : i32
    %while3A_10 = arith.subi %div3A_7, %while3A_9 : i32
    %while3A_11 = arith.addi %while3A_9, %while3A_10 : i32
    %while3A_12 = arith.constant 1 : i32
    %while3A_13 = arith.divsi %while3A_10, %while3A_12 : i32
    %while3A_14 = arith.muli %while3A_13, %while3A_12 : i32
    %while3A_15 = arith.addi %while3A_9, %while3A_14 : i32
    %while3A_16 = arith.constant 1 : i32
    scf.for %while3A_19 = %while3A_9 to %while3A_15 step %while3A_16  : i32 {
      %mul3A_20 = arith.muli %while3A_19, %while3A : i32
      %add3A_21 = arith.addi %while3A_8, %mul3A_20 : i32
      %dma_start3A = arith.constant 0 : i32
      %dma_start3A_22 = tpu.memref_slice %arg11[%add3A_21, %dma_start3A] : memref<83x128xi32, #tpu.memory_space<vmem>> -> memref<1x128xi32, #tpu.memory_space<vmem>>
      %dma_start3A_23 = tpu.memref_squeeze %dma_start3A_22 : memref<1x128xi32, #tpu.memory_space<vmem>> -> memref<128xi32, #tpu.memory_space<vmem>>
      %dma_start3A_24 = arith.constant 0 : i32
      %dma_start3A_25 = arith.constant 0 : i32
      %dma_start3A_26 = tpu.memref_slice %arg2[%dma_start3A_24, %dma_start3A_25] : memref<10000x64xf32, #tpu.memory_space<hbm>> -> memref<10000x64xf32, #tpu.memory_space<hbm>>
      tpu.enqueue_indirect_dma source(%dma_start3A_26 : memref<10000x64xf32, #tpu.memory_space<hbm>>) target(%arg13 : memref<128x64xf32, #tpu.memory_space<vmem>>) offsets(%dma_start3A_23 : memref<128xi32, #tpu.memory_space<vmem>>) semaphore(%arg14 : memref<!tpu.dma_semaphore, #tpu.memory_space<semaphore_mem>>)
      %dma_wait3A = arith.constant 0 : i32
      %dma_wait3A_27 = tpu.memref_slice %arg11[%add3A_21, %dma_wait3A] : memref<83x128xi32, #tpu.memory_space<vmem>> -> memref<1x128xi32, #tpu.memory_space<vmem>>
      %dma_wait3A_28 = tpu.memref_squeeze %dma_wait3A_27 : memref<1x128xi32, #tpu.memory_space<vmem>> -> memref<128xi32, #tpu.memory_space<vmem>>
      %dma_wait3A_29 = arith.constant 0 : i32
      %dma_wait3A_30 = arith.constant 0 : i32
      %dma_wait3A_31 = tpu.memref_slice %arg2[%dma_wait3A_29, %dma_wait3A_30] : memref<10000x64xf32, #tpu.memory_space<hbm>> -> memref<10000x64xf32, #tpu.memory_space<hbm>>
      tpu.wait_indirect_dma semaphore(%arg14 : memref<!tpu.dma_semaphore, #tpu.memory_space<semaphore_mem>>) src(%dma_wait3A_31 : memref<10000x64xf32, #tpu.memory_space<hbm>>) dst(%arg13 : memref<128x64xf32, #tpu.memory_space<vmem>>)
      "tpu.region"() ({
        %run_scoped3A = tpu.sem_alloc : memref<!tpu.dma_semaphore, #tpu.memory_space<semaphore_mem>>
        %dma_start3A_32 = arith.constant 0 : i32
        %dma_start3A_33 = tpu.memref_slice %arg12[%add3A_21, %dma_start3A_32] : memref<83x128xi32, #tpu.memory_space<vmem>> -> memref<1x128xi32, #tpu.memory_space<vmem>>
        %dma_start3A_34 = tpu.memref_squeeze %dma_start3A_33 : memref<1x128xi32, #tpu.memory_space<vmem>> -> memref<128xi32, #tpu.memory_space<vmem>>
        %dma_start3A_35 = arith.constant 0 : i32
        %dma_start3A_36 = arith.constant 0 : i32
        %dma_start3A_37 = tpu.memref_slice %arg10[%dma_start3A_35, %dma_start3A_36] : memref<10112x64xf32, #tpu.memory_space<vmem_shared>> -> memref<10112x64xf32, #tpu.memory_space<vmem_shared>>
        tpu.enqueue_indirect_dma source(%arg13 : memref<128x64xf32, #tpu.memory_space<vmem>>) target(%dma_start3A_37 : memref<10112x64xf32, #tpu.memory_space<vmem_shared>>) offsets(%dma_start3A_34 : memref<128xi32, #tpu.memory_space<vmem>>) semaphore(%run_scoped3A : memref<!tpu.dma_semaphore, #tpu.memory_space<semaphore_mem>>) {add = true}
        %dma_wait3A_38 = arith.constant 0 : i32
        %dma_wait3A_39 = tpu.memref_slice %arg12[%add3A_21, %dma_wait3A_38] : memref<83x128xi32, #tpu.memory_space<vmem>> -> memref<1x128xi32, #tpu.memory_space<vmem>>
        %dma_wait3A_40 = tpu.memref_squeeze %dma_wait3A_39 : memref<1x128xi32, #tpu.memory_space<vmem>> -> memref<128xi32, #tpu.memory_space<vmem>>
        %dma_wait3A_41 = arith.constant 0 : i32
        %dma_wait3A_42 = arith.constant 0 : i32
        %dma_wait3A_43 = tpu.memref_slice %arg10[%dma_wait3A_41, %dma_wait3A_42] : memref<10112x64xf32, #tpu.memory_space<vmem_shared>> -> memref<10112x64xf32, #tpu.memory_space<vmem_shared>>
        tpu.wait_indirect_dma semaphore(%run_scoped3A : memref<!tpu.dma_semaphore, #tpu.memory_space<semaphore_mem>>) src(%arg13 : memref<128x64xf32, #tpu.memory_space<vmem>>) dst(%dma_wait3A_43 : memref<10112x64xf32, #tpu.memory_space<vmem_shared>>)
        tpu.yield
      }) : () -> ()
      "tpu.region"() ({
        %run_scoped3A = tpu.sem_alloc : memref<!tpu.dma_semaphore, #tpu.memory_space<semaphore_mem>>
        %dma_start3A_32 = arith.constant 0 : i32
        %dma_start3A_33 = tpu.memref_slice %arg12[%add3A_21, %dma_start3A_32] : memref<83x128xi32, #tpu.memory_space<vmem>> -> memref<1x128xi32, #tpu.memory_space<vmem>>
        %dma_start3A_34 = tpu.memref_squeeze %dma_start3A_33 : memref<1x128xi32, #tpu.memory_space<vmem>> -> memref<128xi32, #tpu.memory_space<vmem>>
        %dma_start3A_35 = arith.constant 0 : i32
        %dma_start3A_36 = arith.constant 0 : i32
        %dma_start3A_37 = tpu.memref_slice %arg15[%dma_start3A_35, %dma_start3A_36] : memref<10112x16xf32, #tpu.memory_space<vmem_shared>> -> memref<10112x16xf32, #tpu.memory_space<vmem_shared>>
        tpu.enqueue_indirect_dma source(%arg16 : memref<128x16xf32, #tpu.memory_space<vmem>>) target(%dma_start3A_37 : memref<10112x16xf32, #tpu.memory_space<vmem_shared>>) offsets(%dma_start3A_34 : memref<128xi32, #tpu.memory_space<vmem>>) semaphore(%run_scoped3A : memref<!tpu.dma_semaphore, #tpu.memory_space<semaphore_mem>>) {add = true}
        %dma_wait3A_38 = arith.constant 0 : i32
        %dma_wait3A_39 = tpu.memref_slice %arg12[%add3A_21, %dma_wait3A_38] : memref<83x128xi32, #tpu.memory_space<vmem>> -> memref<1x128xi32, #tpu.memory_space<vmem>>
        %dma_wait3A_40 = tpu.memref_squeeze %dma_wait3A_39 : memref<1x128xi32, #tpu.memory_space<vmem>> -> memref<128xi32, #tpu.memory_space<vmem>>
        %dma_wait3A_41 = arith.constant 0 : i32
        %dma_wait3A_42 = arith.constant 0 : i32
        %dma_wait3A_43 = tpu.memref_slice %arg15[%dma_wait3A_41, %dma_wait3A_42] : memref<10112x16xf32, #tpu.memory_space<vmem_shared>> -> memref<10112x16xf32, #tpu.memory_space<vmem_shared>>
        tpu.wait_indirect_dma semaphore(%run_scoped3A : memref<!tpu.dma_semaphore, #tpu.memory_space<semaphore_mem>>) src(%arg16 : memref<128x16xf32, #tpu.memory_space<vmem>>) dst(%dma_wait3A_43 : memref<10112x16xf32, #tpu.memory_space<vmem_shared>>)
        tpu.yield
      }) : () -> ()
    }
    %while3A_17 = arith.constant 1 : i32
    scf.for %while3A_19 = %while3A_15 to %while3A_11 step %while3A_17  : i32 {
      %mul3A_20 = arith.muli %while3A_19, %while3A : i32
      %add3A_21 = arith.addi %while3A_8, %mul3A_20 : i32
      %dma_start3A = arith.constant 0 : i32
      %dma_start3A_22 = tpu.memref_slice %arg11[%add3A_21, %dma_start3A] : memref<83x128xi32, #tpu.memory_space<vmem>> -> memref<1x128xi32, #tpu.memory_space<vmem>>
      %dma_start3A_23 = tpu.memref_squeeze %dma_start3A_22 : memref<1x128xi32, #tpu.memory_space<vmem>> -> memref<128xi32, #tpu.memory_space<vmem>>
      %dma_start3A_24 = arith.constant 0 : i32
      %dma_start3A_25 = arith.constant 0 : i32
      %dma_start3A_26 = tpu.memref_slice %arg2[%dma_start3A_24, %dma_start3A_25] : memref<10000x64xf32, #tpu.memory_space<hbm>> -> memref<10000x64xf32, #tpu.memory_space<hbm>>
      tpu.enqueue_indirect_dma source(%dma_start3A_26 : memref<10000x64xf32, #tpu.memory_space<hbm>>) target(%arg13 : memref<128x64xf32, #tpu.memory_space<vmem>>) offsets(%dma_start3A_23 : memref<128xi32, #tpu.memory_space<vmem>>) semaphore(%arg14 : memref<!tpu.dma_semaphore, #tpu.memory_space<semaphore_mem>>)
      %dma_wait3A = arith.constant 0 : i32
      %dma_wait3A_27 = tpu.memref_slice %arg11[%add3A_21, %dma_wait3A] : memref<83x128xi32, #tpu.memory_space<vmem>> -> memref<1x128xi32, #tpu.memory_space<vmem>>
      %dma_wait3A_28 = tpu.memref_squeeze %dma_wait3A_27 : memref<1x128xi32, #tpu.memory_space<vmem>> -> memref<128xi32, #tpu.memory_space<vmem>>
      %dma_wait3A_29 = arith.constant 0 : i32
      %dma_wait3A_30 = arith.constant 0 : i32
      %dma_wait3A_31 = tpu.memref_slice %arg2[%dma_wait3A_29, %dma_wait3A_30] : memref<10000x64xf32, #tpu.memory_space<hbm>> -> memref<10000x64xf32, #tpu.memory_space<hbm>>
      tpu.wait_indirect_dma semaphore(%arg14 : memref<!tpu.dma_semaphore, #tpu.memory_space<semaphore_mem>>) src(%dma_wait3A_31 : memref<10000x64xf32, #tpu.memory_space<hbm>>) dst(%arg13 : memref<128x64xf32, #tpu.memory_space<vmem>>)
      "tpu.region"() ({
        %run_scoped3A = tpu.sem_alloc : memref<!tpu.dma_semaphore, #tpu.memory_space<semaphore_mem>>
        %dma_start3A_32 = arith.constant 0 : i32
        %dma_start3A_33 = tpu.memref_slice %arg12[%add3A_21, %dma_start3A_32] : memref<83x128xi32, #tpu.memory_space<vmem>> -> memref<1x128xi32, #tpu.memory_space<vmem>>
        %dma_start3A_34 = tpu.memref_squeeze %dma_start3A_33 : memref<1x128xi32, #tpu.memory_space<vmem>> -> memref<128xi32, #tpu.memory_space<vmem>>
        %dma_start3A_35 = arith.constant 0 : i32
        %dma_start3A_36 = arith.constant 0 : i32
        %dma_start3A_37 = tpu.memref_slice %arg10[%dma_start3A_35, %dma_start3A_36] : memref<10112x64xf32, #tpu.memory_space<vmem_shared>> -> memref<10112x64xf32, #tpu.memory_space<vmem_shared>>
        tpu.enqueue_indirect_dma source(%arg13 : memref<128x64xf32, #tpu.memory_space<vmem>>) target(%dma_start3A_37 : memref<10112x64xf32, #tpu.memory_space<vmem_shared>>) offsets(%dma_start3A_34 : memref<128xi32, #tpu.memory_space<vmem>>) semaphore(%run_scoped3A : memref<!tpu.dma_semaphore, #tpu.memory_space<semaphore_mem>>) {add = true}
        %dma_wait3A_38 = arith.constant 0 : i32
        %dma_wait3A_39 = tpu.memref_slice %arg12[%add3A_21, %dma_wait3A_38] : memref<83x128xi32, #tpu.memory_space<vmem>> -> memref<1x128xi32, #tpu.memory_space<vmem>>
        %dma_wait3A_40 = tpu.memref_squeeze %dma_wait3A_39 : memref<1x128xi32, #tpu.memory_space<vmem>> -> memref<128xi32, #tpu.memory_space<vmem>>
        %dma_wait3A_41 = arith.constant 0 : i32
        %dma_wait3A_42 = arith.constant 0 : i32
        %dma_wait3A_43 = tpu.memref_slice %arg10[%dma_wait3A_41, %dma_wait3A_42] : memref<10112x64xf32, #tpu.memory_space<vmem_shared>> -> memref<10112x64xf32, #tpu.memory_space<vmem_shared>>
        tpu.wait_indirect_dma semaphore(%run_scoped3A : memref<!tpu.dma_semaphore, #tpu.memory_space<semaphore_mem>>) src(%arg13 : memref<128x64xf32, #tpu.memory_space<vmem>>) dst(%dma_wait3A_43 : memref<10112x64xf32, #tpu.memory_space<vmem_shared>>)
        tpu.yield
      }) : () -> ()
      "tpu.region"() ({
        %run_scoped3A = tpu.sem_alloc : memref<!tpu.dma_semaphore, #tpu.memory_space<semaphore_mem>>
        %dma_start3A_32 = arith.constant 0 : i32
        %dma_start3A_33 = tpu.memref_slice %arg12[%add3A_21, %dma_start3A_32] : memref<83x128xi32, #tpu.memory_space<vmem>> -> memref<1x128xi32, #tpu.memory_space<vmem>>
        %dma_start3A_34 = tpu.memref_squeeze %dma_start3A_33 : memref<1x128xi32, #tpu.memory_space<vmem>> -> memref<128xi32, #tpu.memory_space<vmem>>
        %dma_start3A_35 = arith.constant 0 : i32
        %dma_start3A_36 = arith.constant 0 : i32
        %dma_start3A_37 = tpu.memref_slice %arg15[%dma_start3A_35, %dma_start3A_36] : memref<10112x16xf32, #tpu.memory_space<vmem_shared>> -> memref<10112x16xf32, #tpu.memory_space<vmem_shared>>
        tpu.enqueue_indirect_dma source(%arg16 : memref<128x16xf32, #tpu.memory_space<vmem>>) target(%dma_start3A_37 : memref<10112x16xf32, #tpu.memory_space<vmem_shared>>) offsets(%dma_start3A_34 : memref<128xi32, #tpu.memory_space<vmem>>) semaphore(%run_scoped3A : memref<!tpu.dma_semaphore, #tpu.memory_space<semaphore_mem>>) {add = true}
        %dma_wait3A_38 = arith.constant 0 : i32
        %dma_wait3A_39 = tpu.memref_slice %arg12[%add3A_21, %dma_wait3A_38] : memref<83x128xi32, #tpu.memory_space<vmem>> -> memref<1x128xi32, #tpu.memory_space<vmem>>
        %dma_wait3A_40 = tpu.memref_squeeze %dma_wait3A_39 : memref<1x128xi32, #tpu.memory_space<vmem>> -> memref<128xi32, #tpu.memory_space<vmem>>
        %dma_wait3A_41 = arith.constant 0 : i32
        %dma_wait3A_42 = arith.constant 0 : i32
        %dma_wait3A_43 = tpu.memref_slice %arg15[%dma_wait3A_41, %dma_wait3A_42] : memref<10112x16xf32, #tpu.memory_space<vmem_shared>> -> memref<10112x16xf32, #tpu.memory_space<vmem_shared>>
        tpu.wait_indirect_dma semaphore(%run_scoped3A : memref<!tpu.dma_semaphore, #tpu.memory_space<semaphore_mem>>) src(%arg16 : memref<128x16xf32, #tpu.memory_space<vmem>>) dst(%dma_wait3A_43 : memref<10112x16xf32, #tpu.memory_space<vmem_shared>>)
        tpu.yield
      }) : () -> ()
    }
    %barrier3A_18 = arith.constant 0 : index
    tpu.barrier barrier_id(%barrier3A_18)
    "tpu.region"() ({
      %run_scoped3A = tpu.sem_alloc : memref<!tpu.dma_semaphore, #tpu.memory_space<semaphore_mem>>
      %dma_start3A = arith.constant 0 : i32
      %dma_start3A_19 = tpu.memref_slice %arg8[%arg0, %mul3A_0, %dma_start3A] : memref<2x10112x64xf32, #tpu.memory_space<hbm>> -> memref<1x632x64xf32, #tpu.memory_space<hbm>>
      %dma_start3A_20 = tpu.memref_squeeze %dma_start3A_19 : memref<1x632x64xf32, #tpu.memory_space<hbm>> -> memref<632x64xf32, #tpu.memory_space<hbm>>
      %dma_start3A_21 = arith.constant 0 : i32
      %dma_start3A_22 = tpu.memref_slice %arg10[%mul3A_0, %dma_start3A_21] : memref<10112x64xf32, #tpu.memory_space<vmem_shared>> -> memref<632x64xf32, #tpu.memory_space<vmem_shared>>
      tpu.enqueue_dma source(%dma_start3A_22 : memref<632x64xf32, #tpu.memory_space<vmem_shared>>) target(%dma_start3A_20 : memref<632x64xf32, #tpu.memory_space<hbm>>) target_semaphore(%run_scoped3A : memref<!tpu.dma_semaphore, #tpu.memory_space<semaphore_mem>>)
      %dma_wait3A = arith.constant 0 : i32
      %dma_wait3A_23 = tpu.memref_slice %arg8[%arg0, %mul3A_0, %dma_wait3A] : memref<2x10112x64xf32, #tpu.memory_space<hbm>> -> memref<1x632x64xf32, #tpu.memory_space<hbm>>
      %dma_wait3A_24 = tpu.memref_squeeze %dma_wait3A_23 : memref<1x632x64xf32, #tpu.memory_space<hbm>> -> memref<632x64xf32, #tpu.memory_space<hbm>>
      %dma_wait3A_25 = arith.constant 0 : i32
      %dma_wait3A_26 = tpu.memref_slice %arg10[%mul3A_0, %dma_wait3A_25] : memref<10112x64xf32, #tpu.memory_space<vmem_shared>> -> memref<632x64xf32, #tpu.memory_space<vmem_shared>>
      tpu.wait_dma2 semaphore(%run_scoped3A : memref<!tpu.dma_semaphore, #tpu.memory_space<semaphore_mem>>) src(%dma_wait3A_26 : memref<632x64xf32, #tpu.memory_space<vmem_shared>>) dst(%dma_wait3A_24 : memref<632x64xf32, #tpu.memory_space<hbm>>)
      tpu.yield
    }) : () -> ()
    "tpu.region"() ({
      %run_scoped3A = tpu.sem_alloc : memref<!tpu.dma_semaphore, #tpu.memory_space<semaphore_mem>>
      %dma_start3A = arith.constant 0 : i32
      %dma_start3A_19 = tpu.memref_slice %arg9[%arg0, %mul3A_0, %dma_start3A] : memref<2x10112x16xf32, #tpu.memory_space<hbm>> -> memref<1x632x16xf32, #tpu.memory_space<hbm>>
      %dma_start3A_20 = tpu.memref_squeeze %dma_start3A_19 : memref<1x632x16xf32, #tpu.memory_space<hbm>> -> memref<632x16xf32, #tpu.memory_space<hbm>>
      %dma_start3A_21 = arith.constant 0 : i32
      %dma_start3A_22 = tpu.memref_slice %arg15[%mul3A_0, %dma_start3A_21] : memref<10112x16xf32, #tpu.memory_space<vmem_shared>> -> memref<632x16xf32, #tpu.memory_space<vmem_shared>>
      tpu.enqueue_dma source(%dma_start3A_22 : memref<632x16xf32, #tpu.memory_space<vmem_shared>>) target(%dma_start3A_20 : memref<632x16xf32, #tpu.memory_space<hbm>>) target_semaphore(%run_scoped3A : memref<!tpu.dma_semaphore, #tpu.memory_space<semaphore_mem>>)
      %dma_wait3A = arith.constant 0 : i32
      %dma_wait3A_23 = tpu.memref_slice %arg9[%arg0, %mul3A_0, %dma_wait3A] : memref<2x10112x16xf32, #tpu.memory_space<hbm>> -> memref<1x632x16xf32, #tpu.memory_space<hbm>>
      %dma_wait3A_24 = tpu.memref_squeeze %dma_wait3A_23 : memref<1x632x16xf32, #tpu.memory_space<hbm>> -> memref<632x16xf32, #tpu.memory_space<hbm>>
      %dma_wait3A_25 = arith.constant 0 : i32
      %dma_wait3A_26 = tpu.memref_slice %arg15[%mul3A_0, %dma_wait3A_25] : memref<10112x16xf32, #tpu.memory_space<vmem_shared>> -> memref<632x16xf32, #tpu.memory_space<vmem_shared>>
      tpu.wait_dma2 semaphore(%run_scoped3A : memref<!tpu.dma_semaphore, #tpu.memory_space<semaphore_mem>>) src(%dma_wait3A_26 : memref<632x16xf32, #tpu.memory_space<vmem_shared>>) dst(%dma_wait3A_24 : memref<632x16xf32, #tpu.memory_space<hbm>>)
      tpu.yield
    }) : () -> ()
    return
  }
}

#map = affine_map<(d0, d1) -> (0, 0)>
#map1 = affine_map<(d0, d1) -> (0, 0, 0, 0)>
#map2 = affine_map<(d0, d1) -> (0, 0, 0)>
module attributes {stable_mosaic.version = 14 : i64} {
  func.func @body(%arg0: i32, %arg1: i32, %arg2: memref<10000x64xf32, #tpu.memory_space<hbm>>, %arg3: memref<2x16x83x128xi32, #tpu.memory_space<hbm>>, %arg4: memref<2x16x83x128xi32, #tpu.memory_space<hbm>>, %arg5: memref<10112x64xf32, #tpu.memory_space<hbm>>, %arg6: memref<2x10112x64xf32, #tpu.memory_space<hbm>>, %arg7: memref<10112x64xf32, #tpu.memory_space<vmem_shared>>, %arg8: memref<83x128xi32, #tpu.memory_space<vmem>>, %arg9: memref<83x128xi32, #tpu.memory_space<vmem>>, %arg10: memref<128x64xf32, #tpu.memory_space<vmem>>, %arg11: memref<!tpu.dma_semaphore, #tpu.memory_space<semaphore_mem>>) attributes {dimension_semantics = [#tpu.dimension_semantics<core_parallel>, #tpu.dimension_semantics<subcore_parallel>], iteration_bounds = array<i64: 2, 16>, scalar_prefetch = 0 : i64, scratch_operands = 5 : i64, tpu.core_type = #tpu.core_type<sc_vector_subcore>, window_params = [{transform_indices = #map}, {transform_indices = #map1}, {transform_indices = #map1}, {transform_indices = #map}, {transform_indices = #map2}]} {
    %mul3A = arith.constant 632 : i32
    %mul3A_0 = arith.muli %arg1, %mul3A : i32
    "tpu.region"() ({
      %run_scoped3A = tpu.sem_alloc : memref<!tpu.dma_semaphore, #tpu.memory_space<semaphore_mem>>
      %dma_start3A = arith.constant 0 : i32
      %dma_start3A_19 = tpu.memref_slice %arg7[%mul3A_0, %dma_start3A] : memref<10112x64xf32, #tpu.memory_space<vmem_shared>> -> memref<632x64xf32, #tpu.memory_space<vmem_shared>>
      %dma_start3A_20 = arith.constant 0 : i32
      %dma_start3A_21 = tpu.memref_slice %arg5[%mul3A_0, %dma_start3A_20] : memref<10112x64xf32, #tpu.memory_space<hbm>> -> memref<632x64xf32, #tpu.memory_space<hbm>>
      tpu.enqueue_dma source(%dma_start3A_21 : memref<632x64xf32, #tpu.memory_space<hbm>>) target(%dma_start3A_19 : memref<632x64xf32, #tpu.memory_space<vmem_shared>>) target_semaphore(%run_scoped3A : memref<!tpu.dma_semaphore, #tpu.memory_space<semaphore_mem>>)
      %dma_wait3A = arith.constant 0 : i32
      %dma_wait3A_22 = tpu.memref_slice %arg7[%mul3A_0, %dma_wait3A] : memref<10112x64xf32, #tpu.memory_space<vmem_shared>> -> memref<632x64xf32, #tpu.memory_space<vmem_shared>>
      %dma_wait3A_23 = arith.constant 0 : i32
      %dma_wait3A_24 = tpu.memref_slice %arg5[%mul3A_0, %dma_wait3A_23] : memref<10112x64xf32, #tpu.memory_space<hbm>> -> memref<632x64xf32, #tpu.memory_space<hbm>>
      tpu.wait_dma2 semaphore(%run_scoped3A : memref<!tpu.dma_semaphore, #tpu.memory_space<semaphore_mem>>) src(%dma_wait3A_24 : memref<632x64xf32, #tpu.memory_space<hbm>>) dst(%dma_wait3A_22 : memref<632x64xf32, #tpu.memory_space<vmem_shared>>)
      tpu.yield
    }) : () -> ()
    "tpu.region"() ({
      %run_scoped3A = tpu.sem_alloc : memref<!tpu.dma_semaphore, #tpu.memory_space<semaphore_mem>>
      %dma_start3A = arith.constant 0 : i32
      %dma_start3A_19 = arith.constant 0 : i32
      %dma_start3A_20 = tpu.memref_slice %arg3[%arg0, %arg1, %dma_start3A, %dma_start3A_19] : memref<2x16x83x128xi32, #tpu.memory_space<hbm>> -> memref<1x1x83x128xi32, #tpu.memory_space<hbm>>
      %dma_start3A_21 = tpu.memref_squeeze %dma_start3A_20 : memref<1x1x83x128xi32, #tpu.memory_space<hbm>> -> memref<83x128xi32, #tpu.memory_space<hbm>>
      %dma_start3A_22 = arith.constant 0 : i32
      %dma_start3A_23 = arith.constant 0 : i32
      %dma_start3A_24 = tpu.memref_slice %arg3[%arg0, %arg1, %dma_start3A_22, %dma_start3A_23] : memref<2x16x83x128xi32, #tpu.memory_space<hbm>> -> memref<1x1x83x128xi32, #tpu.memory_space<hbm>>
      %dma_start3A_25 = tpu.memref_squeeze %dma_start3A_24 : memref<1x1x83x128xi32, #tpu.memory_space<hbm>> -> memref<83x128xi32, #tpu.memory_space<hbm>>
      tpu.enqueue_dma source(%dma_start3A_25 : memref<83x128xi32, #tpu.memory_space<hbm>>) target(%arg8 : memref<83x128xi32, #tpu.memory_space<vmem>>) target_semaphore(%run_scoped3A : memref<!tpu.dma_semaphore, #tpu.memory_space<semaphore_mem>>)
      %dma_wait3A = arith.constant 0 : i32
      %dma_wait3A_26 = arith.constant 0 : i32
      %dma_wait3A_27 = tpu.memref_slice %arg3[%arg0, %arg1, %dma_wait3A, %dma_wait3A_26] : memref<2x16x83x128xi32, #tpu.memory_space<hbm>> -> memref<1x1x83x128xi32, #tpu.memory_space<hbm>>
      %dma_wait3A_28 = tpu.memref_squeeze %dma_wait3A_27 : memref<1x1x83x128xi32, #tpu.memory_space<hbm>> -> memref<83x128xi32, #tpu.memory_space<hbm>>
      %dma_wait3A_29 = arith.constant 0 : i32
      %dma_wait3A_30 = arith.constant 0 : i32
      %dma_wait3A_31 = tpu.memref_slice %arg3[%arg0, %arg1, %dma_wait3A_29, %dma_wait3A_30] : memref<2x16x83x128xi32, #tpu.memory_space<hbm>> -> memref<1x1x83x128xi32, #tpu.memory_space<hbm>>
      %dma_wait3A_32 = tpu.memref_squeeze %dma_wait3A_31 : memref<1x1x83x128xi32, #tpu.memory_space<hbm>> -> memref<83x128xi32, #tpu.memory_space<hbm>>
      tpu.wait_dma2 semaphore(%run_scoped3A : memref<!tpu.dma_semaphore, #tpu.memory_space<semaphore_mem>>) src(%dma_wait3A_32 : memref<83x128xi32, #tpu.memory_space<hbm>>) dst(%arg8 : memref<83x128xi32, #tpu.memory_space<vmem>>)
      tpu.yield
    }) : () -> ()
    "tpu.region"() ({
      %run_scoped3A = tpu.sem_alloc : memref<!tpu.dma_semaphore, #tpu.memory_space<semaphore_mem>>
      %dma_start3A = arith.constant 0 : i32
      %dma_start3A_19 = arith.constant 0 : i32
      %dma_start3A_20 = tpu.memref_slice %arg4[%arg0, %arg1, %dma_start3A, %dma_start3A_19] : memref<2x16x83x128xi32, #tpu.memory_space<hbm>> -> memref<1x1x83x128xi32, #tpu.memory_space<hbm>>
      %dma_start3A_21 = tpu.memref_squeeze %dma_start3A_20 : memref<1x1x83x128xi32, #tpu.memory_space<hbm>> -> memref<83x128xi32, #tpu.memory_space<hbm>>
      %dma_start3A_22 = arith.constant 0 : i32
      %dma_start3A_23 = arith.constant 0 : i32
      %dma_start3A_24 = tpu.memref_slice %arg4[%arg0, %arg1, %dma_start3A_22, %dma_start3A_23] : memref<2x16x83x128xi32, #tpu.memory_space<hbm>> -> memref<1x1x83x128xi32, #tpu.memory_space<hbm>>
      %dma_start3A_25 = tpu.memref_squeeze %dma_start3A_24 : memref<1x1x83x128xi32, #tpu.memory_space<hbm>> -> memref<83x128xi32, #tpu.memory_space<hbm>>
      tpu.enqueue_dma source(%dma_start3A_25 : memref<83x128xi32, #tpu.memory_space<hbm>>) target(%arg9 : memref<83x128xi32, #tpu.memory_space<vmem>>) target_semaphore(%run_scoped3A : memref<!tpu.dma_semaphore, #tpu.memory_space<semaphore_mem>>)
      %dma_wait3A = arith.constant 0 : i32
      %dma_wait3A_26 = arith.constant 0 : i32
      %dma_wait3A_27 = tpu.memref_slice %arg4[%arg0, %arg1, %dma_wait3A, %dma_wait3A_26] : memref<2x16x83x128xi32, #tpu.memory_space<hbm>> -> memref<1x1x83x128xi32, #tpu.memory_space<hbm>>
      %dma_wait3A_28 = tpu.memref_squeeze %dma_wait3A_27 : memref<1x1x83x128xi32, #tpu.memory_space<hbm>> -> memref<83x128xi32, #tpu.memory_space<hbm>>
      %dma_wait3A_29 = arith.constant 0 : i32
      %dma_wait3A_30 = arith.constant 0 : i32
      %dma_wait3A_31 = tpu.memref_slice %arg4[%arg0, %arg1, %dma_wait3A_29, %dma_wait3A_30] : memref<2x16x83x128xi32, #tpu.memory_space<hbm>> -> memref<1x1x83x128xi32, #tpu.memory_space<hbm>>
      %dma_wait3A_32 = tpu.memref_squeeze %dma_wait3A_31 : memref<1x1x83x128xi32, #tpu.memory_space<hbm>> -> memref<83x128xi32, #tpu.memory_space<hbm>>
      tpu.wait_dma2 semaphore(%run_scoped3A : memref<!tpu.dma_semaphore, #tpu.memory_space<semaphore_mem>>) src(%dma_wait3A_32 : memref<83x128xi32, #tpu.memory_space<hbm>>) dst(%arg9 : memref<83x128xi32, #tpu.memory_space<vmem>>)
      tpu.yield
    }) : () -> ()
    %barrier3A = arith.constant 0 : index
    tpu.barrier barrier_id(%barrier3A)
    %eq3A = arith.constant 0 : i32
    %eq3A_1 = arith.cmpi eq, %arg0, %eq3A : i32
    %jit3A = arith.constant 74 : i32
    %jit3A_2 = arith.constant 83 : i32
    %select_n3A = arith.select %eq3A_1, %jit3A, %jit3A_2 : i32
    %sub3A = arith.constant 0 : i32
    %sub3A_3 = arith.subi %select_n3A, %sub3A : i32
    %sub3A_4 = arith.constant 1 : i32
    %sub3A_5 = arith.constant 1 : i32
    %sub3A_6 = arith.subi %sub3A_4, %sub3A_5 : i32
    %add3A = arith.addi %sub3A_3, %sub3A_6 : i32
    %div3A = arith.constant 1 : i32
    %div3A_7 = arith.divsi %add3A, %div3A : i32
    %while3A = arith.constant 1 : i32
    %while3A_8 = arith.constant 0 : i32
    %while3A_9 = arith.constant 0 : i32
    %while3A_10 = arith.subi %div3A_7, %while3A_9 : i32
    %while3A_11 = arith.addi %while3A_9, %while3A_10 : i32
    %while3A_12 = arith.constant 1 : i32
    %while3A_13 = arith.divsi %while3A_10, %while3A_12 : i32
    %while3A_14 = arith.muli %while3A_13, %while3A_12 : i32
    %while3A_15 = arith.addi %while3A_9, %while3A_14 : i32
    %while3A_16 = arith.constant 1 : i32
    scf.for %while3A_19 = %while3A_9 to %while3A_15 step %while3A_16  : i32 {
      %mul3A_20 = arith.muli %while3A_19, %while3A : i32
      %add3A_21 = arith.addi %while3A_8, %mul3A_20 : i32
      %dma_start3A = arith.constant 0 : i32
      %dma_start3A_22 = tpu.memref_slice %arg8[%add3A_21, %dma_start3A] : memref<83x128xi32, #tpu.memory_space<vmem>> -> memref<1x128xi32, #tpu.memory_space<vmem>>
      %dma_start3A_23 = tpu.memref_squeeze %dma_start3A_22 : memref<1x128xi32, #tpu.memory_space<vmem>> -> memref<128xi32, #tpu.memory_space<vmem>>
      %dma_start3A_24 = arith.constant 0 : i32
      %dma_start3A_25 = arith.constant 0 : i32
      %dma_start3A_26 = tpu.memref_slice %arg2[%dma_start3A_24, %dma_start3A_25] : memref<10000x64xf32, #tpu.memory_space<hbm>> -> memref<10000x64xf32, #tpu.memory_space<hbm>>
      tpu.enqueue_indirect_dma source(%dma_start3A_26 : memref<10000x64xf32, #tpu.memory_space<hbm>>) target(%arg10 : memref<128x64xf32, #tpu.memory_space<vmem>>) offsets(%dma_start3A_23 : memref<128xi32, #tpu.memory_space<vmem>>) semaphore(%arg11 : memref<!tpu.dma_semaphore, #tpu.memory_space<semaphore_mem>>)
      %dma_wait3A = arith.constant 0 : i32
      %dma_wait3A_27 = tpu.memref_slice %arg8[%add3A_21, %dma_wait3A] : memref<83x128xi32, #tpu.memory_space<vmem>> -> memref<1x128xi32, #tpu.memory_space<vmem>>
      %dma_wait3A_28 = tpu.memref_squeeze %dma_wait3A_27 : memref<1x128xi32, #tpu.memory_space<vmem>> -> memref<128xi32, #tpu.memory_space<vmem>>
      %dma_wait3A_29 = arith.constant 0 : i32
      %dma_wait3A_30 = arith.constant 0 : i32
      %dma_wait3A_31 = tpu.memref_slice %arg2[%dma_wait3A_29, %dma_wait3A_30] : memref<10000x64xf32, #tpu.memory_space<hbm>> -> memref<10000x64xf32, #tpu.memory_space<hbm>>
      tpu.wait_indirect_dma semaphore(%arg11 : memref<!tpu.dma_semaphore, #tpu.memory_space<semaphore_mem>>) src(%dma_wait3A_31 : memref<10000x64xf32, #tpu.memory_space<hbm>>) dst(%arg10 : memref<128x64xf32, #tpu.memory_space<vmem>>)
      "tpu.region"() ({
        %run_scoped3A = tpu.sem_alloc : memref<!tpu.dma_semaphore, #tpu.memory_space<semaphore_mem>>
        %dma_start3A_32 = arith.constant 0 : i32
        %dma_start3A_33 = tpu.memref_slice %arg9[%add3A_21, %dma_start3A_32] : memref<83x128xi32, #tpu.memory_space<vmem>> -> memref<1x128xi32, #tpu.memory_space<vmem>>
        %dma_start3A_34 = tpu.memref_squeeze %dma_start3A_33 : memref<1x128xi32, #tpu.memory_space<vmem>> -> memref<128xi32, #tpu.memory_space<vmem>>
        %dma_start3A_35 = arith.constant 0 : i32
        %dma_start3A_36 = arith.constant 0 : i32
        %dma_start3A_37 = tpu.memref_slice %arg7[%dma_start3A_35, %dma_start3A_36] : memref<10112x64xf32, #tpu.memory_space<vmem_shared>> -> memref<10112x64xf32, #tpu.memory_space<vmem_shared>>
        tpu.enqueue_indirect_dma source(%arg10 : memref<128x64xf32, #tpu.memory_space<vmem>>) target(%dma_start3A_37 : memref<10112x64xf32, #tpu.memory_space<vmem_shared>>) offsets(%dma_start3A_34 : memref<128xi32, #tpu.memory_space<vmem>>) semaphore(%run_scoped3A : memref<!tpu.dma_semaphore, #tpu.memory_space<semaphore_mem>>) {add = true}
        %dma_wait3A_38 = arith.constant 0 : i32
        %dma_wait3A_39 = tpu.memref_slice %arg9[%add3A_21, %dma_wait3A_38] : memref<83x128xi32, #tpu.memory_space<vmem>> -> memref<1x128xi32, #tpu.memory_space<vmem>>
        %dma_wait3A_40 = tpu.memref_squeeze %dma_wait3A_39 : memref<1x128xi32, #tpu.memory_space<vmem>> -> memref<128xi32, #tpu.memory_space<vmem>>
        %dma_wait3A_41 = arith.constant 0 : i32
        %dma_wait3A_42 = arith.constant 0 : i32
        %dma_wait3A_43 = tpu.memref_slice %arg7[%dma_wait3A_41, %dma_wait3A_42] : memref<10112x64xf32, #tpu.memory_space<vmem_shared>> -> memref<10112x64xf32, #tpu.memory_space<vmem_shared>>
        tpu.wait_indirect_dma semaphore(%run_scoped3A : memref<!tpu.dma_semaphore, #tpu.memory_space<semaphore_mem>>) src(%arg10 : memref<128x64xf32, #tpu.memory_space<vmem>>) dst(%dma_wait3A_43 : memref<10112x64xf32, #tpu.memory_space<vmem_shared>>)
        tpu.yield
      }) : () -> ()
    }
    %while3A_17 = arith.constant 1 : i32
    scf.for %while3A_19 = %while3A_15 to %while3A_11 step %while3A_17  : i32 {
      %mul3A_20 = arith.muli %while3A_19, %while3A : i32
      %add3A_21 = arith.addi %while3A_8, %mul3A_20 : i32
      %dma_start3A = arith.constant 0 : i32
      %dma_start3A_22 = tpu.memref_slice %arg8[%add3A_21, %dma_start3A] : memref<83x128xi32, #tpu.memory_space<vmem>> -> memref<1x128xi32, #tpu.memory_space<vmem>>
      %dma_start3A_23 = tpu.memref_squeeze %dma_start3A_22 : memref<1x128xi32, #tpu.memory_space<vmem>> -> memref<128xi32, #tpu.memory_space<vmem>>
      %dma_start3A_24 = arith.constant 0 : i32
      %dma_start3A_25 = arith.constant 0 : i32
      %dma_start3A_26 = tpu.memref_slice %arg2[%dma_start3A_24, %dma_start3A_25] : memref<10000x64xf32, #tpu.memory_space<hbm>> -> memref<10000x64xf32, #tpu.memory_space<hbm>>
      tpu.enqueue_indirect_dma source(%dma_start3A_26 : memref<10000x64xf32, #tpu.memory_space<hbm>>) target(%arg10 : memref<128x64xf32, #tpu.memory_space<vmem>>) offsets(%dma_start3A_23 : memref<128xi32, #tpu.memory_space<vmem>>) semaphore(%arg11 : memref<!tpu.dma_semaphore, #tpu.memory_space<semaphore_mem>>)
      %dma_wait3A = arith.constant 0 : i32
      %dma_wait3A_27 = tpu.memref_slice %arg8[%add3A_21, %dma_wait3A] : memref<83x128xi32, #tpu.memory_space<vmem>> -> memref<1x128xi32, #tpu.memory_space<vmem>>
      %dma_wait3A_28 = tpu.memref_squeeze %dma_wait3A_27 : memref<1x128xi32, #tpu.memory_space<vmem>> -> memref<128xi32, #tpu.memory_space<vmem>>
      %dma_wait3A_29 = arith.constant 0 : i32
      %dma_wait3A_30 = arith.constant 0 : i32
      %dma_wait3A_31 = tpu.memref_slice %arg2[%dma_wait3A_29, %dma_wait3A_30] : memref<10000x64xf32, #tpu.memory_space<hbm>> -> memref<10000x64xf32, #tpu.memory_space<hbm>>
      tpu.wait_indirect_dma semaphore(%arg11 : memref<!tpu.dma_semaphore, #tpu.memory_space<semaphore_mem>>) src(%dma_wait3A_31 : memref<10000x64xf32, #tpu.memory_space<hbm>>) dst(%arg10 : memref<128x64xf32, #tpu.memory_space<vmem>>)
      "tpu.region"() ({
        %run_scoped3A = tpu.sem_alloc : memref<!tpu.dma_semaphore, #tpu.memory_space<semaphore_mem>>
        %dma_start3A_32 = arith.constant 0 : i32
        %dma_start3A_33 = tpu.memref_slice %arg9[%add3A_21, %dma_start3A_32] : memref<83x128xi32, #tpu.memory_space<vmem>> -> memref<1x128xi32, #tpu.memory_space<vmem>>
        %dma_start3A_34 = tpu.memref_squeeze %dma_start3A_33 : memref<1x128xi32, #tpu.memory_space<vmem>> -> memref<128xi32, #tpu.memory_space<vmem>>
        %dma_start3A_35 = arith.constant 0 : i32
        %dma_start3A_36 = arith.constant 0 : i32
        %dma_start3A_37 = tpu.memref_slice %arg7[%dma_start3A_35, %dma_start3A_36] : memref<10112x64xf32, #tpu.memory_space<vmem_shared>> -> memref<10112x64xf32, #tpu.memory_space<vmem_shared>>
        tpu.enqueue_indirect_dma source(%arg10 : memref<128x64xf32, #tpu.memory_space<vmem>>) target(%dma_start3A_37 : memref<10112x64xf32, #tpu.memory_space<vmem_shared>>) offsets(%dma_start3A_34 : memref<128xi32, #tpu.memory_space<vmem>>) semaphore(%run_scoped3A : memref<!tpu.dma_semaphore, #tpu.memory_space<semaphore_mem>>) {add = true}
        %dma_wait3A_38 = arith.constant 0 : i32
        %dma_wait3A_39 = tpu.memref_slice %arg9[%add3A_21, %dma_wait3A_38] : memref<83x128xi32, #tpu.memory_space<vmem>> -> memref<1x128xi32, #tpu.memory_space<vmem>>
        %dma_wait3A_40 = tpu.memref_squeeze %dma_wait3A_39 : memref<1x128xi32, #tpu.memory_space<vmem>> -> memref<128xi32, #tpu.memory_space<vmem>>
        %dma_wait3A_41 = arith.constant 0 : i32
        %dma_wait3A_42 = arith.constant 0 : i32
        %dma_wait3A_43 = tpu.memref_slice %arg7[%dma_wait3A_41, %dma_wait3A_42] : memref<10112x64xf32, #tpu.memory_space<vmem_shared>> -> memref<10112x64xf32, #tpu.memory_space<vmem_shared>>
        tpu.wait_indirect_dma semaphore(%run_scoped3A : memref<!tpu.dma_semaphore, #tpu.memory_space<semaphore_mem>>) src(%arg10 : memref<128x64xf32, #tpu.memory_space<vmem>>) dst(%dma_wait3A_43 : memref<10112x64xf32, #tpu.memory_space<vmem_shared>>)
        tpu.yield
      }) : () -> ()
    }
    %barrier3A_18 = arith.constant 0 : index
    tpu.barrier barrier_id(%barrier3A_18)
    "tpu.region"() ({
      %run_scoped3A = tpu.sem_alloc : memref<!tpu.dma_semaphore, #tpu.memory_space<semaphore_mem>>
      %dma_start3A = arith.constant 0 : i32
      %dma_start3A_19 = tpu.memref_slice %arg6[%arg0, %mul3A_0, %dma_start3A] : memref<2x10112x64xf32, #tpu.memory_space<hbm>> -> memref<1x632x64xf32, #tpu.memory_space<hbm>>
      %dma_start3A_20 = tpu.memref_squeeze %dma_start3A_19 : memref<1x632x64xf32, #tpu.memory_space<hbm>> -> memref<632x64xf32, #tpu.memory_space<hbm>>
      %dma_start3A_21 = arith.constant 0 : i32
      %dma_start3A_22 = tpu.memref_slice %arg7[%mul3A_0, %dma_start3A_21] : memref<10112x64xf32, #tpu.memory_space<vmem_shared>> -> memref<632x64xf32, #tpu.memory_space<vmem_shared>>
      tpu.enqueue_dma source(%dma_start3A_22 : memref<632x64xf32, #tpu.memory_space<vmem_shared>>) target(%dma_start3A_20 : memref<632x64xf32, #tpu.memory_space<hbm>>) target_semaphore(%run_scoped3A : memref<!tpu.dma_semaphore, #tpu.memory_space<semaphore_mem>>)
      %dma_wait3A = arith.constant 0 : i32
      %dma_wait3A_23 = tpu.memref_slice %arg6[%arg0, %mul3A_0, %dma_wait3A] : memref<2x10112x64xf32, #tpu.memory_space<hbm>> -> memref<1x632x64xf32, #tpu.memory_space<hbm>>
      %dma_wait3A_24 = tpu.memref_squeeze %dma_wait3A_23 : memref<1x632x64xf32, #tpu.memory_space<hbm>> -> memref<632x64xf32, #tpu.memory_space<hbm>>
      %dma_wait3A_25 = arith.constant 0 : i32
      %dma_wait3A_26 = tpu.memref_slice %arg7[%mul3A_0, %dma_wait3A_25] : memref<10112x64xf32, #tpu.memory_space<vmem_shared>> -> memref<632x64xf32, #tpu.memory_space<vmem_shared>>
      tpu.wait_dma2 semaphore(%run_scoped3A : memref<!tpu.dma_semaphore, #tpu.memory_space<semaphore_mem>>) src(%dma_wait3A_26 : memref<632x64xf32, #tpu.memory_space<vmem_shared>>) dst(%dma_wait3A_24 : memref<632x64xf32, #tpu.memory_space<hbm>>)
      tpu.yield
    }) : () -> ()
    return
  }
}

module attributes {stable_mosaic.version = 14 : i64} {
  func.func @_mm1(%arg0: memref<10000x128xf32, #tpu.memory_space<vmem>>, %arg1: memref<128x128xf32, #tpu.memory_space<vmem>>, %arg2: memref<10000x64xf32, #tpu.memory_space<vmem>>, %arg3: memref<10000x64xf32, #tpu.memory_space<vmem>>) attributes {dimension_semantics = [], scalar_prefetch = 0 : i64, scratch_operands = 0 : i64, tpu.core_type = #tpu.core_type<tc>} {
    %get3A = arith.constant 0 : index
    %get3A_0 = arith.constant 0 : index
    %get3A_1 = vector.load %arg0[%get3A, %get3A_0] : memref<10000x128xf32, #tpu.memory_space<vmem>>, vector<10000x128xf32>
    %convert_element_type3A = arith.truncf %get3A_1 : vector<10000x128xf32> to vector<10000x128xbf16>
    %get3A_2 = arith.constant 0 : index
    %get3A_3 = arith.constant 0 : index
    %get3A_4 = vector.load %arg1[%get3A_2, %get3A_3] : memref<128x128xf32, #tpu.memory_space<vmem>>, vector<128x128xf32>
    %convert_element_type3A_5 = arith.truncf %get3A_4 : vector<128x128xf32> to vector<128x128xbf16>
    %dot_general3A = arith.constant dense<0.000000e+00> : vector<10000x128xf32>
    %dot_general3A_6 = tpu.matmul %convert_element_type3A, %convert_element_type3A_5, %dot_general3A {dimension_numbers = #tpu.dot_dimension_numbers<[1], [0], [0], [1], [0, 0, 1, 1], [], []>, transpose_lhs_hint = false} : vector<10000x128xbf16>, vector<128x128xbf16>, vector<10000x128xf32> -> vector<10000x128xf32>
    %slice3A = vector.extract_strided_slice %dot_general3A_6 {offsets = [0, 0], sizes = [10000, 64], strides = [1, 1]} : vector<10000x128xf32> to vector<10000x64xf32>
    %swap3A = arith.constant 0 : index
    %swap3A_7 = arith.constant 0 : index
    %swap3A_8 = vector.load %arg2[%swap3A, %swap3A_7] : memref<10000x64xf32, #tpu.memory_space<vmem>>, vector<10000x64xf32>
    tpu.vector_store %arg2[%swap3A, %swap3A_7], %slice3A {strides = array<i32>} : memref<10000x64xf32, #tpu.memory_space<vmem>>, vector<10000x64xf32>,
    %slice3A_9 = vector.extract_strided_slice %dot_general3A_6 {offsets = [0, 64], sizes = [10000, 64], strides = [1, 1]} : vector<10000x128xf32> to vector<10000x64xf32>
    %swap3A_10 = arith.constant 0 : index
    %swap3A_11 = arith.constant 0 : index
    %swap3A_12 = vector.load %arg3[%swap3A_10, %swap3A_11] : memref<10000x64xf32, #tpu.memory_space<vmem>>, vector<10000x64xf32>
    tpu.vector_store %arg3[%swap3A_10, %swap3A_11], %slice3A_9 {strides = array<i32>} : memref<10000x64xf32, #tpu.memory_space<vmem>>, vector<10000x64xf32>,
    return
  }
}

module attributes {stable_mosaic.version = 14 : i64} {
  func.func @_mid(%arg0: memref<10000x64xf32, #tpu.memory_space<vmem>>, %arg1: memref<10000x64xf32, #tpu.memory_space<vmem>>, %arg2: memref<10000x1xf32, #tpu.memory_space<vmem>>, %arg3: memref<10000x1xf32, #tpu.memory_space<vmem>>, %arg4: memref<10000x64xf32, #tpu.memory_space<vmem>>, %arg5: memref<1x64xf32, #tpu.memory_space<vmem>>, %arg6: memref<64x128xf32, #tpu.memory_space<vmem>>, %arg7: memref<10000x64xf32, #tpu.memory_space<vmem>>, %arg8: memref<10000x64xf32, #tpu.memory_space<vmem>>, %arg9: memref<10000x1xf32, #tpu.memory_space<vmem>>) attributes {dimension_semantics = [], scalar_prefetch = 0 : i64, scratch_operands = 0 : i64, tpu.core_type = #tpu.core_type<tc>} {
    %get3A = arith.constant 0 : index
    %get3A_0 = arith.constant 0 : index
    %get3A_1 = vector.load %arg2[%get3A, %get3A_0] : memref<10000x1xf32, #tpu.memory_space<vmem>>, vector<10000x1xf32>
    %get3A_2 = arith.constant 0 : index
    %get3A_3 = arith.constant 0 : index
    %get3A_4 = vector.load %arg3[%get3A_2, %get3A_3] : memref<10000x1xf32, #tpu.memory_space<vmem>>, vector<10000x1xf32>
    %add3A = arith.addf %get3A_1, %get3A_4 : vector<10000x1xf32>
    %max3A = arith.constant 1.000000e+00 : f32
    %max3A_5 = vector.broadcast %max3A : f32 to vector<10000x1xf32>
    %max3A_6 = arith.maximumf %add3A, %max3A_5 : vector<10000x1xf32>
    %get3A_7 = arith.constant 0 : index
    %get3A_8 = arith.constant 0 : index
    %get3A_9 = vector.load %arg0[%get3A_7, %get3A_8] : memref<10000x64xf32, #tpu.memory_space<vmem>>, vector<10000x64xf32>
    %get3A_10 = arith.constant 0 : index
    %get3A_11 = arith.constant 0 : index
    %get3A_12 = vector.load %arg1[%get3A_10, %get3A_11] : memref<10000x64xf32, #tpu.memory_space<vmem>>, vector<10000x64xf32>
    %add3A_13 = arith.addf %get3A_9, %get3A_12 : vector<10000x64xf32>
    %div3A = vector.broadcast %max3A_6 : vector<10000x1xf32> to vector<10000x64xf32>
    %div3A_14 = arith.divf %add3A_13, %div3A : vector<10000x64xf32>
    %get3A_15 = arith.constant 0 : index
    %get3A_16 = arith.constant 0 : index
    %get3A_17 = vector.load %arg5[%get3A_15, %get3A_16] : memref<1x64xf32, #tpu.memory_space<vmem>>, vector<1x64xf32>
    %add3A_18 = vector.broadcast %get3A_17 : vector<1x64xf32> to vector<10000x64xf32>
    %add3A_19 = arith.addf %div3A_14, %add3A_18 : vector<10000x64xf32>
    %get3A_20 = arith.constant 0 : index
    %get3A_21 = arith.constant 0 : index
    %get3A_22 = vector.load %arg4[%get3A_20, %get3A_21] : memref<10000x64xf32, #tpu.memory_space<vmem>>, vector<10000x64xf32>
    %add3A_23 = arith.addf %add3A_19, %get3A_22 : vector<10000x64xf32>
    %max3A_24 = arith.constant 0.000000e+00 : f32
    %max3A_25 = vector.broadcast %max3A_24 : f32 to vector<10000x64xf32>
    %max3A_26 = arith.maximumf %add3A_23, %max3A_25 : vector<10000x64xf32>
    %convert_element_type3A = arith.truncf %max3A_26 : vector<10000x64xf32> to vector<10000x64xbf16>
    %get3A_27 = arith.constant 0 : index
    %get3A_28 = arith.constant 0 : index
    %get3A_29 = vector.load %arg6[%get3A_27, %get3A_28] : memref<64x128xf32, #tpu.memory_space<vmem>>, vector<64x128xf32>
    %convert_element_type3A_30 = arith.truncf %get3A_29 : vector<64x128xf32> to vector<64x128xbf16>
    %dot_general3A = arith.constant dense<0.000000e+00> : vector<10000x128xf32>
    %dot_general3A_31 = tpu.matmul %convert_element_type3A, %convert_element_type3A_30, %dot_general3A {dimension_numbers = #tpu.dot_dimension_numbers<[1], [0], [0], [1], [0, 0, 1, 1], [], []>, transpose_lhs_hint = false} : vector<10000x64xbf16>, vector<64x128xbf16>, vector<10000x128xf32> -> vector<10000x128xf32>
    %slice3A = vector.extract_strided_slice %dot_general3A_31 {offsets = [0, 0], sizes = [10000, 64], strides = [1, 1]} : vector<10000x128xf32> to vector<10000x64xf32>
    %swap3A = arith.constant 0 : index
    %swap3A_32 = arith.constant 0 : index
    %swap3A_33 = vector.load %arg7[%swap3A, %swap3A_32] : memref<10000x64xf32, #tpu.memory_space<vmem>>, vector<10000x64xf32>
    tpu.vector_store %arg7[%swap3A, %swap3A_32], %slice3A {strides = array<i32>} : memref<10000x64xf32, #tpu.memory_space<vmem>>, vector<10000x64xf32>,
    %slice3A_34 = vector.extract_strided_slice %dot_general3A_31 {offsets = [0, 64], sizes = [10000, 64], strides = [1, 1]} : vector<10000x128xf32> to vector<10000x64xf32>
    %swap3A_35 = arith.constant 0 : index
    %swap3A_36 = arith.constant 0 : index
    %swap3A_37 = vector.load %arg8[%swap3A_35, %swap3A_36] : memref<10000x64xf32, #tpu.memory_space<vmem>>, vector<10000x64xf32>
    tpu.vector_store %arg8[%swap3A_35, %swap3A_36], %slice3A_34 {strides = array<i32>} : memref<10000x64xf32, #tpu.memory_space<vmem>>, vector<10000x64xf32>,
    %swap3A_38 = arith.constant 0 : index
    %swap3A_39 = arith.constant 0 : index
    %swap3A_40 = vector.load %arg9[%swap3A_38, %swap3A_39] : memref<10000x1xf32, #tpu.memory_space<vmem>>, vector<10000x1xf32>
    tpu.vector_store %arg9[%swap3A_38, %swap3A_39], %max3A_6 {strides = array<i32>} : memref<10000x1xf32, #tpu.memory_space<vmem>>, vector<10000x1xf32>,
    return
  }
}

module attributes {stable_mosaic.version = 14 : i64} {
  func.func @_head(%arg0: memref<10000x64xf32, #tpu.memory_space<vmem>>, %arg1: memref<10000x64xf32, #tpu.memory_space<vmem>>, %arg2: memref<10000x1xf32, #tpu.memory_space<vmem>>, %arg3: memref<10000x64xf32, #tpu.memory_space<vmem>>, %arg4: memref<1x64xf32, #tpu.memory_space<vmem>>, %arg5: memref<1x10000xi32, #tpu.memory_space<vmem>>, %arg6: memref<64x32xf32, #tpu.memory_space<vmem>>, %arg7: memref<1x32xf32, #tpu.memory_space<vmem>>, %arg8: memref<32x2xf32, #tpu.memory_space<vmem>>, %arg9: memref<1x2xf32, #tpu.memory_space<vmem>>, %arg10: memref<64x2xf32, #tpu.memory_space<vmem>>) attributes {dimension_semantics = [], scalar_prefetch = 0 : i64, scratch_operands = 0 : i64, tpu.core_type = #tpu.core_type<tc>} {
    %get3A = arith.constant 0 : index
    %get3A_0 = arith.constant 0 : index
    %get3A_1 = vector.load %arg0[%get3A, %get3A_0] : memref<10000x64xf32, #tpu.memory_space<vmem>>, vector<10000x64xf32>
    %get3A_2 = arith.constant 0 : index
    %get3A_3 = arith.constant 0 : index
    %get3A_4 = vector.load %arg1[%get3A_2, %get3A_3] : memref<10000x64xf32, #tpu.memory_space<vmem>>, vector<10000x64xf32>
    %add3A = arith.addf %get3A_1, %get3A_4 : vector<10000x64xf32>
    %get3A_5 = arith.constant 0 : index
    %get3A_6 = arith.constant 0 : index
    %get3A_7 = vector.load %arg2[%get3A_5, %get3A_6] : memref<10000x1xf32, #tpu.memory_space<vmem>>, vector<10000x1xf32>
    %div3A = vector.broadcast %get3A_7 : vector<10000x1xf32> to vector<10000x64xf32>
    %div3A_8 = arith.divf %add3A, %div3A : vector<10000x64xf32>
    %get3A_9 = arith.constant 0 : index
    %get3A_10 = arith.constant 0 : index
    %get3A_11 = vector.load %arg4[%get3A_9, %get3A_10] : memref<1x64xf32, #tpu.memory_space<vmem>>, vector<1x64xf32>
    %add3A_12 = vector.broadcast %get3A_11 : vector<1x64xf32> to vector<10000x64xf32>
    %add3A_13 = arith.addf %div3A_8, %add3A_12 : vector<10000x64xf32>
    %get3A_14 = arith.constant 0 : index
    %get3A_15 = arith.constant 0 : index
    %get3A_16 = vector.load %arg3[%get3A_14, %get3A_15] : memref<10000x64xf32, #tpu.memory_space<vmem>>, vector<10000x64xf32>
    %add3A_17 = arith.addf %add3A_13, %get3A_16 : vector<10000x64xf32>
    %max3A = arith.constant 0.000000e+00 : f32
    %max3A_18 = vector.broadcast %max3A : f32 to vector<10000x64xf32>
    %max3A_19 = arith.maximumf %add3A_17, %max3A_18 : vector<10000x64xf32>
    %iota3A = tpu.iota {dimensions = array<i32: 0>} : vector<64x10000xi32>
    %get3A_20 = arith.constant 0 : index
    %get3A_21 = arith.constant 0 : index
    %get3A_22 = vector.load %arg5[%get3A_20, %get3A_21] : memref<1x10000xi32, #tpu.memory_space<vmem>>, vector<1x10000xi32>
    %eq3A = vector.broadcast %get3A_22 : vector<1x10000xi32> to vector<64x10000xi32>
    %eq3A_23 = arith.cmpi eq, %iota3A, %eq3A : vector<64x10000xi32>
    %convert_element_type3A = arith.extui %eq3A_23 : vector<64x10000xi1> to vector<64x10000xi32>
    %convert_element_type3A_24 = arith.sitofp %convert_element_type3A : vector<64x10000xi32> to vector<64x10000xf32>
    %convert_element_type3A_25 = arith.truncf %convert_element_type3A_24 : vector<64x10000xf32> to vector<64x10000xbf16>
    %convert_element_type3A_26 = arith.truncf %max3A_19 : vector<10000x64xf32> to vector<10000x64xbf16>
    %dot_general3A = arith.constant dense<0.000000e+00> : vector<64x64xf32>
    %dot_general3A_27 = tpu.matmul %convert_element_type3A_25, %convert_element_type3A_26, %dot_general3A {dimension_numbers = #tpu.dot_dimension_numbers<[1], [0], [0], [1], [0, 0, 1, 1], [], []>, transpose_lhs_hint = false} : vector<64x10000xbf16>, vector<10000x64xbf16>, vector<64x64xf32> -> vector<64x64xf32>
    %broadcast_in_dim3A = arith.constant 1.000000e+00 : bf16
    %broadcast_in_dim3A_28 = vector.broadcast %broadcast_in_dim3A : bf16 to vector<10000x1xbf16>
    %dot_general3A_29 = arith.constant dense<0.000000e+00> : vector<64x1xf32>
    %dot_general3A_30 = tpu.matmul %convert_element_type3A_25, %broadcast_in_dim3A_28, %dot_general3A_29 {dimension_numbers = #tpu.dot_dimension_numbers<[1], [0], [0], [1], [0, 0, 1, 1], [], []>, transpose_lhs_hint = false} : vector<64x10000xbf16>, vector<10000x1xbf16>, vector<64x1xf32> -> vector<64x1xf32>
    %max3A_31 = arith.constant 1.000000e+00 : f32
    %max3A_32 = vector.broadcast %max3A_31 : f32 to vector<64x1xf32>
    %max3A_33 = arith.maximumf %dot_general3A_30, %max3A_32 : vector<64x1xf32>
    %div3A_34 = vector.broadcast %max3A_33 : vector<64x1xf32> to vector<64x64xf32>
    %div3A_35 = arith.divf %dot_general3A_27, %div3A_34 : vector<64x64xf32>
    %convert_element_type3A_36 = arith.truncf %div3A_35 : vector<64x64xf32> to vector<64x64xbf16>
    %get3A_37 = arith.constant 0 : index
    %get3A_38 = arith.constant 0 : index
    %get3A_39 = vector.load %arg6[%get3A_37, %get3A_38] : memref<64x32xf32, #tpu.memory_space<vmem>>, vector<64x32xf32>
    %convert_element_type3A_40 = arith.truncf %get3A_39 : vector<64x32xf32> to vector<64x32xbf16>
    %dot_general3A_41 = arith.constant dense<0.000000e+00> : vector<64x32xf32>
    %dot_general3A_42 = tpu.matmul %convert_element_type3A_36, %convert_element_type3A_40, %dot_general3A_41 {dimension_numbers = #tpu.dot_dimension_numbers<[1], [0], [0], [1], [0, 0, 1, 1], [], []>, transpose_lhs_hint = false} : vector<64x64xbf16>, vector<64x32xbf16>, vector<64x32xf32> -> vector<64x32xf32>
    %get3A_43 = arith.constant 0 : index
    %get3A_44 = arith.constant 0 : index
    %get3A_45 = vector.load %arg7[%get3A_43, %get3A_44] : memref<1x32xf32, #tpu.memory_space<vmem>>, vector<1x32xf32>
    %add3A_46 = vector.broadcast %get3A_45 : vector<1x32xf32> to vector<64x32xf32>
    %add3A_47 = arith.addf %dot_general3A_42, %add3A_46 : vector<64x32xf32>
    %max3A_48 = arith.constant 0.000000e+00 : f32
    %max3A_49 = vector.broadcast %max3A_48 : f32 to vector<64x32xf32>
    %max3A_50 = arith.maximumf %add3A_47, %max3A_49 : vector<64x32xf32>
    %convert_element_type3A_51 = arith.truncf %max3A_50 : vector<64x32xf32> to vector<64x32xbf16>
    %get3A_52 = arith.constant 0 : index
    %get3A_53 = arith.constant 0 : index
    %get3A_54 = vector.load %arg8[%get3A_52, %get3A_53] : memref<32x2xf32, #tpu.memory_space<vmem>>, vector<32x2xf32>
    %convert_element_type3A_55 = arith.truncf %get3A_54 : vector<32x2xf32> to vector<32x2xbf16>
    %dot_general3A_56 = arith.constant dense<0.000000e+00> : vector<64x2xf32>
    %dot_general3A_57 = tpu.matmul %convert_element_type3A_51, %convert_element_type3A_55, %dot_general3A_56 {dimension_numbers = #tpu.dot_dimension_numbers<[1], [0], [0], [1], [0, 0, 1, 1], [], []>, transpose_lhs_hint = false} : vector<64x32xbf16>, vector<32x2xbf16>, vector<64x2xf32> -> vector<64x2xf32>
    %get3A_58 = arith.constant 0 : index
    %get3A_59 = arith.constant 0 : index
    %get3A_60 = vector.load %arg9[%get3A_58, %get3A_59] : memref<1x2xf32, #tpu.memory_space<vmem>>, vector<1x2xf32>
    %add3A_61 = vector.broadcast %get3A_60 : vector<1x2xf32> to vector<64x2xf32>
    %add3A_62 = arith.addf %dot_general3A_57, %add3A_61 : vector<64x2xf32>
    %swap3A = arith.constant 0 : index
    %swap3A_63 = arith.constant 0 : index
    %swap3A_64 = vector.load %arg10[%swap3A, %swap3A_63] : memref<64x2xf32, #tpu.memory_space<vmem>>, vector<64x2xf32>
    tpu.vector_store %arg10[%swap3A, %swap3A_63], %add3A_62 {strides = array<i32>} : memref<64x2xf32, #tpu.memory_space<vmem>>, vector<64x2xf32>,
    return
  }
}

</mosaic_0001>

<sc_bundles>
// kernel: kernel.10.cloned.1.call-start
scs
__scs_entry_jumppad:
0x0: {  	(pc) =	sbr.rel $0x88, $3  }
0x1: {  	(tag) =	ssettag $0x0;
	lr =	simm.s32 $0x1  }
0x2: {  	[smem:$0x3F94] =	sst lr;
	_ =	strace $0xD0000000  }
0x3: {  	_ = 	snop  }
0x4: {  	_ = 	snop  }
0x5: {  	_ = 	snop  }
0x6: {  	_ = 	snop  }
0x7: {  	_ = 	snop  }
__scs_overlays_trampoline_lowered:
0x8: {  	[smem:$0x3FA3] =	sst s0  }
0x9: {  	[smem:$0x3FA4] =	sst s1  }
0xa: {  	[smem:$0x3FA5] =	sst s2  }
0xb: {  	[smem:$0x3FA6] =	sst s3  }
0xc: {  	[smem:$0x3FA7] =	sst s4  }
0xd: {  	[smem:$0x3FA8] =	sst s5  }
0xe: {  	[smem:$0x3FA9] =	sst s6  }
0xf: {  	[smem:$0x3FAA] =	sst s7  }
0x10: {  	[smem:$0x3FAB] =	sst s8  }
0x11: {  	[smem:$0x3FAC] =	sst s9;
	s0 =	simm.s32 @!p0 $0x0  }
0x12: {  	s1 =	sld [smem:$0x3F92];
	s0 =	simm.s32 @p0 $0x1  }
0x13: {  	[smem:$0x3FAD] =	sst s0;
	s0 =	simm.s32 @!p1 $0x0  }
0x14: {  	s2 =	sld [smem:$0x3F91];
	s0 =	simm.s32 @p1 $0x1  }
0x15: {  	[smem:$0x3FAE] =	sst s0;
	s0 =	simm.s32 @!p2 $0x0  }
0x16: {  	s3 =	sld [smem:$0x3FDB];
	s0 =	simm.s32 @p2 $0x1  }
0x17: {  	s4 =	simm.s32 $0x1BF5;
	[smem:$0x3FB0] =	sst s0  }
0x18: {  	s0 =	sld [smem:$0x3F93];
	_ =	swait.ge [sflag:s4], $0x0  }
0x19: {  	s7 =	sld [smem:$0x3F94]  }
0x1a: {  	s8 =	sadd.s32 $0xFFFFE003, lr  }
0x1b: {  	s9 =	sadd.s32 $0xFFFFFEF7, lr;
	s5 =	simm.s32 $0xFFFFFFFF;
	p2 =	slt.u32 s8, $0xFFFFF086  }
0x1c: {  	p1 =	slt.u32 s9, $0xF7A;
	s5 =	simm.s32 @!p2 $0x0  }
0x1d: {  	s5 =	simm.s32 @p1 $0x1;
	p0 =	seq.s32 s7, s2  }
0x1e: {  	s7 =	smul.u32 @!p0 $0xF7A, s2;
	p2 =	seq.s32 @!p0 s5, $0x0  }
0x1f: {  	s9 =	smul.u32 $0xF7A, s1;
	s8 =	simm.s32 @!p0 $0x1BF5;
	p2 =	por !p2, p0  }
0x20: {  	[sflag:s8] =	ssyncset.s32 @!p0 $0xFFFFF086;
	s6 =	sadd.s32 @!p0 s3, s7;
	s7 =	simm.s32 @!p0 $0x108  }
0x21: {  	s3 =	sadd.s32 s3, s9;
	s6 =	sadd.s32 @!p0 $0x88, s6;
	s7 =	simm.s32 @p2 $0x1082  }
0x22: {  	[simem:s7], [sflag:s8] =	dma.local @!p0 [hbm:s6], $0xF7A  }
0x23: {  	s9 =	sor.u32 $0xD0000000, s2;
	s6 =	simm.s32 $0x108;
	_ =	swait.ge @!p0 [sflag:s8], $0x0  }
0x24: {  	s3 =	sadd.s32 $0x88, s3;
	s6 =	simm.s32 @!p1 $0x1082;
	[sflag:s4] =	ssyncset.s32 $0xFFFFF086  }
0x25: {  	[simem:s6], [sflag:s4] =	dma.local [hbm:s3], $0xF7A  }
0x26: {  	[smem:$0x3F94] =	sst s1;
	(tag) =	ssettag s2;
	_ =	strace s9  }
0x27: {  	s1 =	sld [smem:$0x3FA4]  }
0x28: {  	s2 =	sld [smem:$0x3FA5]  }
0x29: {  	s4 =	sld [smem:$0x3FA7]  }
0x2a: {  	p0 =	seq.s32 s5, $0x0;
	s5 =	sld [smem:$0x3FA8]  }
0x2b: {  	s6 =	sld [smem:$0x3FA9]  }
0x2c: {  	s7 =	sld [smem:$0x3FAA]  }
0x2d: {  	s3 =	simm.s32 $0x108;
	s8 =	sld [smem:$0x3FAB]  }
0x2e: {  	s3 =	simm.s32 @!p0 $0x1082;
	s9 =	sld [smem:$0x3FAC]  }
0x2f: {  	lr =	sadd.s32 s0, s3;
	s0 =	sld [smem:$0x3FA3]  }
0x30: {  	s3 =	sld [smem:$0x3FA6]  }
0x31: {  	[smem:$0x3FAF] =	sst s10  }
0x32: {  	s10 =	sld [smem:$0x3FAD];
	_ =	sdelay $0x3  }
0x33: {  	p0 =	seq.s32 s10, $0x1;
	s10 =	sld [smem:$0x3FAF];
	_ =	sdelay $0x3  }
0x34: {  	[smem:$0x3FAF] =	sst s10  }
0x35: {  	s10 =	sld [smem:$0x3FAE];
	_ =	sdelay $0x3  }
0x36: {  	p1 =	seq.s32 s10, $0x1;
	s10 =	sld [smem:$0x3FAF];
	_ =	sdelay $0x3  }
0x37: {  	[smem:$0x3FAF] =	sst s10  }
0x38: {  	s10 =	sld [smem:$0x3FB0]  }
0x39: {  	_ = 	snop;
	(pc) =	sbr.ind lr, $3  }
0x3a: {  	_ = 	snop  }
0x3b: {  	_ = 	snop  }
0x3c: {  	p2 =	seq.s32 s10, $0x1;
	s10 =	sld [smem:$0x3FAF]  }
0x3d: {  	_ =	shalt  }
0x3e: {  	_ =	shalt  }
0x3f: {  	_ =	shalt  }
0x40: {  	_ =	shalt  }
0x41: {  	_ =	shalt  }
0x42: {  	_ =	shalt  }
0x43: {  	_ =	shalt  }
0x44: {  	_ =	shalt  }
0x45: {  	_ =	shalt  }
0x46: {  	_ =	shalt  }
0x47: {  	_ =	shalt  }
0x48: {  	_ =	shalt  }
0x49: {  	_ =	shalt  }
0x4a: {  	_ =	shalt  }
0x4b: {  	_ =	shalt  }
0x4c: {  	_ =	shalt  }
0x4d: {  	_ =	shalt  }
0x4e: {  	_ =	shalt  }
0x4f: {  	_ =	shalt  }
0x50: {  	_ =	shalt  }
0x51: {  	_ =	shalt  }
0x52: {  	_ =	shalt  }
0x53: {  	_ =	shalt  }
0x54: {  	_ =	shalt  }
0x55: {  	_ =	shalt  }
0x56: {  	_ =	shalt  }
0x57: {  	_ =	shalt  }
0x58: {  	_ =	shalt  }
0x59: {  	_ =	shalt  }
0x5a: {  	_ =	shalt  }
0x5b: {  	_ =	shalt  }
0x5c: {  	_ =	shalt  }
0x5d: {  	_ =	shalt  }
0x5e: {  	_ =	shalt  }
0x5f: {  	_ =	shalt  }
0x60: {  	_ =	shalt  }
0x61: {  	_ =	shalt  }
0x62: {  	_ =	shalt  }
0x63: {  	_ =	shalt  }
0x64: {  	_ =	shalt  }
0x65: {  	_ =	shalt  }
0x66: {  	_ =	shalt  }
0x67: {  	_ =	shalt  }
0x68: {  	_ =	shalt  }
0x69: {  	_ =	shalt  }
0x6a: {  	_ =	shalt  }
0x6b: {  	_ =	shalt  }
0x6c: {  	_ =	shalt  }
0x6d: {  	_ =	shalt  }
0x6e: {  	_ =	shalt  }
0x6f: {  	_ =	shalt  }
0x70: {  	_ =	shalt  }
0x71: {  	_ =	shalt  }
0x72: {  	_ =	shalt  }
0x73: {  	_ =	shalt  }
0x74: {  	_ =	shalt  }
0x75: {  	_ =	shalt  }
0x76: {  	_ =	shalt  }
0x77: {  	_ =	shalt  }
0x78: {  	_ =	shalt  }
0x79: {  	_ =	shalt  }
0x7a: {  	_ =	shalt  }
0x7b: {  	_ =	shalt  }
0x7c: {  	_ =	shalt  }
0x7d: {  	_ =	shalt  }
0x7e: {  	_ =	shalt  }
0x7f: {  	_ =	shalt  }
0x80: {  	_ =	shalt  }
0x81: {  	_ =	shalt  }
0x82: {  	_ =	shalt  }
0x83: {  	_ =	shalt  }
0x84: {  	_ =	shalt  }
0x85: {  	_ =	shalt  }
0x86: {  	_ =	shalt  }
0x87: {  	_ =	shalt  }
.Lfunc_end0:
.L_simem_size_0:
called_computation.1_lowered:
.L_overlay_start_0:
0x88: {  	s2 =	sld [smem:$0x3FD9]  }
0x89: {  	s3 =	sld [smem:$0x3FFE];
	_ =	sdelay $0x1  }
0x8a: {  	s1 =	srdreg.scid  }
0x8b: {  	s0 =	sand.u32 $0x1, s1  }
0x8c: {  	s16 =	sshll.u32 s0, $0xA;
	s2 =	sadd.s32 s3, s2  }
0x8d: {  	s2 =	sadd.s32 s2, s16  }
0x8e: {  	[smem:$0x3FBB] =	sst s2  }
0x8f: {  	_ = 	snop  }
0x90: {  	(tm) =	ssettm $0x1  }
0x91: {  	s17 =	sld [smem:$0x3FFB];
	_ =	sdelay $0x3  }
0x92: {  	_ =	strace s17  }
0x93: {  	s2 =	sld [smem:$0x3FFC];
	_ =	sdelay $0x3  }
0x94: {  	_ =	strace s2  }
0x95: {  	s2 =	sld [smem:$0x3FFD];
	_ =	sdelay $0x3  }
0x96: {  	_ =	strace s2  }
0x97: {  	_ =	strace $0x8FFFFFFF  }
0x98: {  	s18 =	sld [smem:$0x3FDB];
	_ =	sdelay $0x1  }
0x99: {  	s19 =	simm.s32 $_scs_section_size  }
0x9a: {  	s4 =	simm.s32 $_size__tile_overlayer_lowered;
	s5 =	simm.s32 $_tile_overlayer_lowered  }
0x9b: {  	s22 =	simm.s32 $0x1BFF;
	s21 =	sshll.u32 s5, $0x1;
	s2 =	sadd.s32 s19, s18  }
0x9c: {  	s6 =	simm.s32 $0x0;
	s20 =	sshll.u32 s4, $0x1;
	s4 =	sadd.s32 s21, s2  }
0x9d: {  	[timem:s6], [sflag:s22] =	dma.local [hbm:s4], s20  }
0x9e: {  	_ =	swait.ge [sflag:s22], s20  }
0x9f: {  	s3 =	ssub.s32 $0x0, s20;
	[sflag:s22] =	ssyncset.done $0x0  }
0xa0: {  	[sflag:s22] =	ssyncadd.s32 s3;
	_ =	sdelay $0x1  }
0xa1: {  	s23 =	simm.s32 $0x1B8B  }
0xa2: {  	_ =	swait.ge [sflag:s23], $0x1  }
0xa3: {  	[sflag:s23] =	ssyncset.done $0x0  }
0xa4: {  	s25 =	simm.s32 $0x1B8E;
	s24 =	sld [smem:$0x3FFE];
	[sflag:s23] =	ssyncadd.s32 $0xFFFFFFFF  }
0xa5: {  	s26 =	simm.s32 $execute0_lowered;
	[smem:$0x3FD2] =	sst s25  }
0xa6: {  	s4 =	sshll.u32 s26, $0x1;
	_ =	strace $0x80000049;
	[dreg:$0x1] =	wrdreg $0xFFFFFFFF  }
0xa7: {  	s28 =	simm.s32 $_size_execute0_lowered;
	s2 =	sadd.s32 s2, s4;
	[dreg:$0x0] =	wrdreg $0x0  }
0xa8: {  	s4 =	sshll.u32 s28, $0x1;
	[dreg:$0x2] =	wrdreg s2  }
0xa9: {  	[dreg:$0x3] =	wrdreg s4  }
0xaa: {  	[dreg:$0x4] =	wrdreg $0xC0  }
0xab: {  	_ =	task [dreg:s6], $0x5FFFF  }
0xac: {  	[dreg:$0x1] =	wrdreg $0xFFFFFFFF  }
0xad: {  	[dreg:$0x0] =	wrdreg $0x60  }
0xae: {  	[dreg:$0x2] =	wrdreg s24  }
0xaf: {  	[dreg:$0x3] =	wrdreg $0x0  }
0xb0: {  	[dreg:$0x4] =	wrdreg $0x9  }
0xb1: {  	_ =	task.clear_ibuf [dreg:s6], $0x5FFFF;
	_ =	strace $0x90000049  }
0xb2: {  	s29 =	simm.s32 $0x9;
	_ =	strace $0x8000004B  }
0xb3: {  	_ =	swait.ge [sflag:s29], $0x1  }
0xb4: {  	[sflag:s29] =	ssyncadd.s32 $0xFFFFFFFF  }
0xb5: {  	_ =	strace $0x9000004B  }
0xb6: {  	_ =	sfence  }
0xb7: {  	s30 =	sld [smem:$0x0];
	_ =	sdelay $0x2  }
0xb8: {  	s31 =	sshll.u32 s1, $0xD;
	s1 =	sshrl.u32 s1, $0x2  }
0xb9: {  	s3 =	sand.u32 $0x4000, s31;
	s1 =	sadd.s32 s1, s30  }
0xba: {  	s0 =	sor.u32 s3, s0;
	s1 =	sshll.u32 s1, $0x11  }
0xbb: {  	s0 =	sor.u32 s1, s0  }
0xbc: {  	s0 =	sadd.s32 $0x8F2B, s0  }
0xbd: {  	[sflag:s0] =	ssyncadd.remote.s32 $0x1  }
0xbe: {  	_ =	sfence.sel $0xFFFF  }
0xbf: {  	[dreg:$0x0] =	wrdreg $0xFFFFFFFF;
	(pc) =	sbr.abs _section_cstart, $3  }
0xc0: {  	[dreg:$0x1] =	wrdreg $0xFFFFFFFF  }
0xc1: {  	_ =	task.clear_ibuf [dreg:s6], $0x2FFFF;
	_ =	strace $0x9FFFFFFF  }
0xc2: {  	(tm) =	ssettm $0x7FFFFFFF  }
0xc3: {  	_ =	shalt  }
tec
execute0_lowered:
.L_overlay_start_1:
0x0: {  	(tag) =	ssettag $0x1  }
0x1: {  	s5 =	rddreg [dreg:$0x0]  }
0x2: {  	s0 =	srdreg.scid;
	s2 =	rddreg [dreg:$0x1]  }
0x3: {  	s1 =	rddreg [dreg:$0x2];
	s3 =	simm.s32 $0x0;
	s9 =	sand.u32 $0x1, s0  }
0x4: {  	s14 =	simm.s32 $0x80;
	s0 =	stileid.u32;
	s4 =	smul.u32 $0x29800, s9  }
0x5: {  	s15 =	simm.s32 $0xF100;
	s16 =	simm.s32 $0x1;
	s6 =	smul.u32 $0x2980, s0  }
0x6: {  	s17 =	simm.s32 $0x0;
	[smem:$0x7FF] =	sst s3;
	s7 =	smul.u32 $0x9E00, s0  }
0x7: {  	s29 =	smul.u32 $0x9E000, s9;
	_ =	strace $0x8000004A;
	s11 =	ssub.s32 $0x2, s9  }
0x8: {  	s31 =	sshll.u32 s0, $0x6;
	p0 =	seq.s32 s9, $0x0;
	s9 =	simm.s32 $0x4A  }
0x9: {  	s30 =	sshrl.u32 s11, $0x1;
	s9 =	simm.s32 @!p0 $0x53;
	s4 =	sadd.s32 s6, s4  }
0xa: {  	s6 =	sadd.s32 s7, s29;
	s10 =	sshrl.u32 s7, $0x3;
	s11 =	ssub.s32 s11, s30  }
0xb: {  	s13 =	sadd.s32 s7, s2;
	s8 =	sshrl.u32 s4, $0x3;
	s4 =	sadd.s32 $0x18200, s5  }
0xc: {  	s6 =	sshrl.u32 s6, $0x3;
	s10 =	sadd.s32 s10, s5;
	s11 =	smax.u32 s11, $0x1  }
0xd: {  	s8 =	sadd.s32 s8, s5;
	s12 =	sadd.s32 s6, s5;
	s5 =	sadd.s32 $0x52E00, s10  }
0xe: {  	s6 =	sor.u32 $0x1C02, s31;
	s7 =	sadd.s32 $0xDC00, s8;
	s8 =	sadd.s32 $0x3600, s8  }
0xf: {  	s10 =	sadd.s32 $0x66A00, s12;
	s12 =	sshrl.u32 s13, $0x3;
	s13 =	simm.s32 $0x2  }
.LBB2_1:
0x10: {  	[spmem:s12], [sflag:s6] =	dma.local [hbm:s5], $0x13C0  }
0x11: {  	_ =	swait.ge [sflag:s13], $0x13C0  }
0x12: {  	[sflag:s13] =	ssyncset.done $0x0  }
0x13: {  	s18 =	simm.s32 $0x9E00;
	[sflag:s13] =	ssyncadd.s32 $0xFFFFEC40  }
0x14: {  	[tilespmem:s18], [sflag:$0x2] =	stream.linear.gather [hbm4b:s7+s3], $0x2980, $0x38;
	[tilespmem:$0x11100] =	vst v63  }
0x15: {  	_ =	swait.ge [sflag:s13], $0x2980  }
0x16: {  	[sflag:s13] =	ssyncset.done $0x0  }
0x17: {  	s19 =	simm.s32 $0xC780;
	[sflag:s13] =	ssyncadd.s32 $0xFFFFD680  }
0x18: {  	[tilespmem:s19], [sflag:$0x2] =	stream.linear.gather [hbm4b:s8+s3], $0x2980, $0x38;
	[tilespmem:$0x11100] =	vst v63  }
0x19: {  	_ =	swait.ge [sflag:s13], $0x2980  }
0x1a: {  	[sflag:s13] =	ssyncset.done $0x0  }
0x1b: {  	[sflag:s13] =	ssyncadd.s32 $0xFFFFD680  }
0x1c: {  	[bflag:$0x0] =	sbarrier.arrive $0xFFFF  }
0x1d: {  	[tilespmem:s15], [sflag:$0x1] =	stream.indirect.gather [hbm4b:s4+s14], $0x40, s18, s14, $0xb8;
	[tilespmem:$0x11100] =	vst v63  }
0x1e: {  	p0 =	sne.s32 s9, $0x1;
	_ =	swait.ge [sflag:s16], $0x2000  }
.Ltmp0:
0x1f: {  	[sflag:s16] =	ssyncset.done $0x0;
	(pc) =	sbr.rel @!p0 .LBB2_3-.Ltmp0, $4  }
0x20: {  	[sflag:s16] =	ssyncadd.s32 $0xFFFFE000  }
0x21: {  	[spmem:s2] =	stream.indirect.scatter.add.f32 [tilespmem:s15], [sflag:$0x2], $0x40, s19, s14, $0xb8;
	[tilespmem:$0x11100] =	vst v63  }
0x22: {  	_ =	swait.ge [sflag:s13], $0x2000  }
0x23: {  	s20 =	sadd.s32 $0xFFFFFFFF, s9;
	[sflag:s13] =	ssyncset.done $0x0  }
.LBB2_2:
0x24: {  	[sflag:s13] =	ssyncadd.s32 $0xFFFFE000;
	s18 =	sadd.s32 $0x80, s18;
	s19 =	sadd.s32 $0x80, s19  }
0x25: {  	[tilespmem:s15], [sflag:$0x1] =	stream.indirect.gather [hbm4b:s4+s14], $0x40, s18, s14, $0xb8;
	[tilespmem:$0x11100] =	vst v63  }
0x26: {  	p0 =	sne.s32 s20, $0x1;
	s20 =	sadd.s32 $0xFFFFFFFF, s20;
	_ =	swait.ge [sflag:s16], $0x2000  }
.Ltmp1:
0x27: {  	[sflag:s16] =	ssyncset.done $0x0;
	(pc) =	sbr.rel @p0 .LBB2_2-.Ltmp1, $4  }
0x28: {  	[sflag:s16] =	ssyncadd.s32 $0xFFFFE000  }
0x29: {  	[spmem:s2] =	stream.indirect.scatter.add.f32 [tilespmem:s15], [sflag:$0x2], $0x40, s19, s14, $0xb8;
	[tilespmem:$0x11100] =	vst v63  }
0x2a: {  	_ =	swait.ge [sflag:s13], $0x2000  }
0x2b: {  	[sflag:s13] =	ssyncset.done $0x0  }
.LBB2_3:
0x2c: {  	s17 =	sadd.s32 $0x1, s17  }
0x2d: {  	[sflag:s13] =	ssyncadd.s32 $0xFFFFE000;
	p0 =	sne.s32 s17, s11  }
.Ltmp2:
0x2e: {  	[bflag:$0x0] =	sbarrier.arrive $0xFFFF;
	(pc) =	sbr.rel @p0 .LBB2_1-.Ltmp2, $4  }
0x2f: {  	[hbm:s10], [sflag:s6] =	dma.local [spmem:s12], $0x13C0  }
0x30: {  	_ =	swait.ge [sflag:s13], $0x13C0  }
0x31: {  	[sflag:s13] =	ssyncset.done $0x0  }
0x32: {  	[sflag:s13] =	ssyncadd.s32 $0xFFFFEC40  }
0x33: {  	_ =	sfence.sel $0x180000  }
0x34: {  	[bflag:$0x0] =	sbarrier.arrive $0xFFFF  }
0x35: {  	p0 =	sne.s32 s0, $0x0;
	_ =	strace $0x9000004A  }
0x36: {  	s0 =	sadd.s32 @!p0 $0x100000, s1;
	[bflag:$0x2] =	sbarrier.arrive $0xFFFF  }
0x37: {  	[sflag:s0] =	ssyncadd.tile.s32 @!p0 $0x1;
	_ =	shalt  }
.Lfunc_end2:
_tile_overlayer_lowered:
.L_overlay_start_2:
0x38: {  	(tag) =	ssettag $0x2  }
0x39: {  	s0 =	rddreg [dreg:$0x0];
	s2 =	stileid.u32  }
0x3a: {  	s1 =	rddreg [dreg:$0x1];
	p0 =	sne.s32 s2, $0x0  }
0x3b: {  	s3 =	rddreg [dreg:$0x2];
	[bflag:$0x3] =	sbarrier.arrive $0xFFFF;
	s2 =	simm.s32 @!p0 $0x1C02  }
0x3c: {  	[timem:s3], [sflag:s2] =	dma.local @!p0 [hbm:s0], s1  }
0x3d: {  	s0 =	simm.s32 @!p0 $0x2  }
0x3e: {  	_ =	swait.ge @!p0 [sflag:s0], s1  }
0x3f: {  	s1 =	ssub.s32 @!p0 $0x0, s1;
	[sflag:s0] =	ssyncset.done @!p0 $0x0  }
0x40: {  	[sflag:s0] =	ssyncadd.s32 @!p0 s1  }
0x41: {  	[bflag:$0x3] =	sbarrier.arrive $0xFFFF  }
0x42: {  	_ =	shalt  }

// kernel: kernel.7.cloned.1.call-start
scs
__scs_entry_jumppad:
0x0: {  	(pc) =	sbr.rel $0x88, $3  }
0x1: {  	(tag) =	ssettag $0x0;
	lr =	simm.s32 $0x1  }
0x2: {  	[smem:$0x3F94] =	sst lr;
	_ =	strace $0xD0000000  }
0x3: {  	_ = 	snop  }
0x4: {  	_ = 	snop  }
0x5: {  	_ = 	snop  }
0x6: {  	_ = 	snop  }
0x7: {  	_ = 	snop  }
__scs_overlays_trampoline_lowered:
0x8: {  	[smem:$0x3FA3] =	sst s0  }
0x9: {  	[smem:$0x3FA4] =	sst s1  }
0xa: {  	[smem:$0x3FA5] =	sst s2  }
0xb: {  	[smem:$0x3FA6] =	sst s3  }
0xc: {  	[smem:$0x3FA7] =	sst s4  }
0xd: {  	[smem:$0x3FA8] =	sst s5  }
0xe: {  	[smem:$0x3FA9] =	sst s6  }
0xf: {  	[smem:$0x3FAA] =	sst s7  }
0x10: {  	[smem:$0x3FAB] =	sst s8  }
0x11: {  	[smem:$0x3FAC] =	sst s9;
	s0 =	simm.s32 @!p0 $0x0  }
0x12: {  	s1 =	sld [smem:$0x3F92];
	s0 =	simm.s32 @p0 $0x1  }
0x13: {  	[smem:$0x3FAD] =	sst s0;
	s0 =	simm.s32 @!p1 $0x0  }
0x14: {  	s2 =	sld [smem:$0x3F91];
	s0 =	simm.s32 @p1 $0x1  }
0x15: {  	[smem:$0x3FAE] =	sst s0;
	s0 =	simm.s32 @!p2 $0x0  }
0x16: {  	s3 =	sld [smem:$0x3FDB];
	s0 =	simm.s32 @p2 $0x1  }
0x17: {  	s4 =	simm.s32 $0x1BF5;
	[smem:$0x3FB0] =	sst s0  }
0x18: {  	s0 =	sld [smem:$0x3F93];
	_ =	swait.ge [sflag:s4], $0x0  }
0x19: {  	s7 =	sld [smem:$0x3F94]  }
0x1a: {  	s8 =	sadd.s32 $0xFFFFE003, lr  }
0x1b: {  	s9 =	sadd.s32 $0xFFFFFEF7, lr;
	s5 =	simm.s32 $0xFFFFFFFF;
	p2 =	slt.u32 s8, $0xFFFFF086  }
0x1c: {  	p1 =	slt.u32 s9, $0xF7A;
	s5 =	simm.s32 @!p2 $0x0  }
0x1d: {  	s5 =	simm.s32 @p1 $0x1;
	p0 =	seq.s32 s7, s2  }
0x1e: {  	s7 =	smul.u32 @!p0 $0xF7A, s2;
	p2 =	seq.s32 @!p0 s5, $0x0  }
0x1f: {  	s9 =	smul.u32 $0xF7A, s1;
	s8 =	simm.s32 @!p0 $0x1BF5;
	p2 =	por !p2, p0  }
0x20: {  	[sflag:s8] =	ssyncset.s32 @!p0 $0xFFFFF086;
	s6 =	sadd.s32 @!p0 s3, s7;
	s7 =	simm.s32 @!p0 $0x108  }
0x21: {  	s3 =	sadd.s32 s3, s9;
	s6 =	sadd.s32 @!p0 $0x88, s6;
	s7 =	simm.s32 @p2 $0x1082  }
0x22: {  	[simem:s7], [sflag:s8] =	dma.local @!p0 [hbm:s6], $0xF7A  }
0x23: {  	s9 =	sor.u32 $0xD0000000, s2;
	s6 =	simm.s32 $0x108;
	_ =	swait.ge @!p0 [sflag:s8], $0x0  }
0x24: {  	s3 =	sadd.s32 $0x88, s3;
	s6 =	simm.s32 @!p1 $0x1082;
	[sflag:s4] =	ssyncset.s32 $0xFFFFF086  }
0x25: {  	[simem:s6], [sflag:s4] =	dma.local [hbm:s3], $0xF7A  }
0x26: {  	[smem:$0x3F94] =	sst s1;
	(tag) =	ssettag s2;
	_ =	strace s9  }
0x27: {  	s1 =	sld [smem:$0x3FA4]  }
0x28: {  	s2 =	sld [smem:$0x3FA5]  }
0x29: {  	s4 =	sld [smem:$0x3FA7]  }
0x2a: {  	p0 =	seq.s32 s5, $0x0;
	s5 =	sld [smem:$0x3FA8]  }
0x2b: {  	s6 =	sld [smem:$0x3FA9]  }
0x2c: {  	s7 =	sld [smem:$0x3FAA]  }
0x2d: {  	s3 =	simm.s32 $0x108;
	s8 =	sld [smem:$0x3FAB]  }
0x2e: {  	s3 =	simm.s32 @!p0 $0x1082;
	s9 =	sld [smem:$0x3FAC]  }
0x2f: {  	lr =	sadd.s32 s0, s3;
	s0 =	sld [smem:$0x3FA3]  }
0x30: {  	s3 =	sld [smem:$0x3FA6]  }
0x31: {  	[smem:$0x3FAF] =	sst s10  }
0x32: {  	s10 =	sld [smem:$0x3FAD];
	_ =	sdelay $0x3  }
0x33: {  	p0 =	seq.s32 s10, $0x1;
	s10 =	sld [smem:$0x3FAF];
	_ =	sdelay $0x3  }
0x34: {  	[smem:$0x3FAF] =	sst s10  }
0x35: {  	s10 =	sld [smem:$0x3FAE];
	_ =	sdelay $0x3  }
0x36: {  	p1 =	seq.s32 s10, $0x1;
	s10 =	sld [smem:$0x3FAF];
	_ =	sdelay $0x3  }
0x37: {  	[smem:$0x3FAF] =	sst s10  }
0x38: {  	s10 =	sld [smem:$0x3FB0]  }
0x39: {  	_ = 	snop;
	(pc) =	sbr.ind lr, $3  }
0x3a: {  	_ = 	snop  }
0x3b: {  	_ = 	snop  }
0x3c: {  	p2 =	seq.s32 s10, $0x1;
	s10 =	sld [smem:$0x3FAF]  }
0x3d: {  	_ =	shalt  }
0x3e: {  	_ =	shalt  }
0x3f: {  	_ =	shalt  }
0x40: {  	_ =	shalt  }
0x41: {  	_ =	shalt  }
0x42: {  	_ =	shalt  }
0x43: {  	_ =	shalt  }
0x44: {  	_ =	shalt  }
0x45: {  	_ =	shalt  }
0x46: {  	_ =	shalt  }
0x47: {  	_ =	shalt  }
0x48: {  	_ =	shalt  }
0x49: {  	_ =	shalt  }
0x4a: {  	_ =	shalt  }
0x4b: {  	_ =	shalt  }
0x4c: {  	_ =	shalt  }
0x4d: {  	_ =	shalt  }
0x4e: {  	_ =	shalt  }
0x4f: {  	_ =	shalt  }
0x50: {  	_ =	shalt  }
0x51: {  	_ =	shalt  }
0x52: {  	_ =	shalt  }
0x53: {  	_ =	shalt  }
0x54: {  	_ =	shalt  }
0x55: {  	_ =	shalt  }
0x56: {  	_ =	shalt  }
0x57: {  	_ =	shalt  }
0x58: {  	_ =	shalt  }
0x59: {  	_ =	shalt  }
0x5a: {  	_ =	shalt  }
0x5b: {  	_ =	shalt  }
0x5c: {  	_ =	shalt  }
0x5d: {  	_ =	shalt  }
0x5e: {  	_ =	shalt  }
0x5f: {  	_ =	shalt  }
0x60: {  	_ =	shalt  }
0x61: {  	_ =	shalt  }
0x62: {  	_ =	shalt  }
0x63: {  	_ =	shalt  }
0x64: {  	_ =	shalt  }
0x65: {  	_ =	shalt  }
0x66: {  	_ =	shalt  }
0x67: {  	_ =	shalt  }
0x68: {  	_ =	shalt  }
0x69: {  	_ =	shalt  }
0x6a: {  	_ =	shalt  }
0x6b: {  	_ =	shalt  }
0x6c: {  	_ =	shalt  }
0x6d: {  	_ =	shalt  }
0x6e: {  	_ =	shalt  }
0x6f: {  	_ =	shalt  }
0x70: {  	_ =	shalt  }
0x71: {  	_ =	shalt  }
0x72: {  	_ =	shalt  }
0x73: {  	_ =	shalt  }
0x74: {  	_ =	shalt  }
0x75: {  	_ =	shalt  }
0x76: {  	_ =	shalt  }
0x77: {  	_ =	shalt  }
0x78: {  	_ =	shalt  }
0x79: {  	_ =	shalt  }
0x7a: {  	_ =	shalt  }
0x7b: {  	_ =	shalt  }
0x7c: {  	_ =	shalt  }
0x7d: {  	_ =	shalt  }
0x7e: {  	_ =	shalt  }
0x7f: {  	_ =	shalt  }
0x80: {  	_ =	shalt  }
0x81: {  	_ =	shalt  }
0x82: {  	_ =	shalt  }
0x83: {  	_ =	shalt  }
0x84: {  	_ =	shalt  }
0x85: {  	_ =	shalt  }
0x86: {  	_ =	shalt  }
0x87: {  	_ =	shalt  }
.Lfunc_end0:
.L_simem_size_0:
called_computation_lowered:
.L_overlay_start_0:
0x88: {  	s2 =	sld [smem:$0x3FD9]  }
0x89: {  	s3 =	sld [smem:$0x3FFE];
	_ =	sdelay $0x1  }
0x8a: {  	s1 =	srdreg.scid  }
0x8b: {  	s0 =	sand.u32 $0x1, s1  }
0x8c: {  	s16 =	sshll.u32 s0, $0xA;
	s2 =	sadd.s32 s3, s2  }
0x8d: {  	s2 =	sadd.s32 s2, s16  }
0x8e: {  	[smem:$0x3FBB] =	sst s2  }
0x8f: {  	_ = 	snop  }
0x90: {  	(tm) =	ssettm $0x1  }
0x91: {  	s17 =	sld [smem:$0x3FFB];
	_ =	sdelay $0x3  }
0x92: {  	_ =	strace s17  }
0x93: {  	s2 =	sld [smem:$0x3FFC];
	_ =	sdelay $0x3  }
0x94: {  	_ =	strace s2  }
0x95: {  	s2 =	sld [smem:$0x3FFD];
	_ =	sdelay $0x3  }
0x96: {  	_ =	strace s2  }
0x97: {  	_ =	strace $0x8FFFFFFF  }
0x98: {  	s18 =	sld [smem:$0x3FDB];
	_ =	sdelay $0x1  }
0x99: {  	s19 =	simm.s32 $_scs_section_size  }
0x9a: {  	s4 =	simm.s32 $_size__tile_overlayer_lowered;
	s5 =	simm.s32 $_tile_overlayer_lowered  }
0x9b: {  	s22 =	simm.s32 $0x1BFF;
	s21 =	sshll.u32 s5, $0x1;
	s2 =	sadd.s32 s19, s18  }
0x9c: {  	s6 =	simm.s32 $0x0;
	s20 =	sshll.u32 s4, $0x1;
	s4 =	sadd.s32 s21, s2  }
0x9d: {  	[timem:s6], [sflag:s22] =	dma.local [hbm:s4], s20  }
0x9e: {  	_ =	swait.ge [sflag:s22], s20  }
0x9f: {  	s3 =	ssub.s32 $0x0, s20;
	[sflag:s22] =	ssyncset.done $0x0  }
0xa0: {  	[sflag:s22] =	ssyncadd.s32 s3;
	_ =	sdelay $0x1  }
0xa1: {  	s23 =	simm.s32 $0x1B8B  }
0xa2: {  	_ =	swait.ge [sflag:s23], $0x1  }
0xa3: {  	[sflag:s23] =	ssyncset.done $0x0  }
0xa4: {  	s25 =	simm.s32 $0x1B8E;
	s24 =	sld [smem:$0x3FFE];
	[sflag:s23] =	ssyncadd.s32 $0xFFFFFFFF  }
0xa5: {  	s26 =	simm.s32 $execute0_lowered;
	[smem:$0x3FD2] =	sst s25  }
0xa6: {  	s4 =	sshll.u32 s26, $0x1;
	_ =	strace $0x80000046;
	[dreg:$0x1] =	wrdreg $0xFFFFFFFF  }
0xa7: {  	s28 =	simm.s32 $_size_execute0_lowered;
	s2 =	sadd.s32 s2, s4;
	[dreg:$0x0] =	wrdreg $0x0  }
0xa8: {  	s4 =	sshll.u32 s28, $0x1;
	[dreg:$0x2] =	wrdreg s2  }
0xa9: {  	[dreg:$0x3] =	wrdreg s4  }
0xaa: {  	[dreg:$0x4] =	wrdreg $0xC0  }
0xab: {  	_ =	task [dreg:s6], $0x5FFFF  }
0xac: {  	[dreg:$0x1] =	wrdreg $0xFFFFFFFF  }
0xad: {  	[dreg:$0x0] =	wrdreg $0x60  }
0xae: {  	[dreg:$0x2] =	wrdreg s24  }
0xaf: {  	[dreg:$0x3] =	wrdreg $0x0  }
0xb0: {  	[dreg:$0x4] =	wrdreg $0x111000  }
0xb1: {  	[dreg:$0x5] =	wrdreg $0x9  }
0xb2: {  	_ =	task.clear_ibuf [dreg:s6], $0x6FFFF;
	_ =	strace $0x90000046  }
0xb3: {  	s29 =	simm.s32 $0x9;
	_ =	strace $0x80000048  }
0xb4: {  	_ =	swait.ge [sflag:s29], $0x1  }
0xb5: {  	[sflag:s29] =	ssyncadd.s32 $0xFFFFFFFF  }
0xb6: {  	_ =	strace $0x90000048  }
0xb7: {  	_ =	sfence  }
0xb8: {  	s30 =	sld [smem:$0x0];
	_ =	sdelay $0x2  }
0xb9: {  	s31 =	sshll.u32 s1, $0xD;
	s1 =	sshrl.u32 s1, $0x2  }
0xba: {  	s3 =	sand.u32 $0x4000, s31;
	s1 =	sadd.s32 s1, s30  }
0xbb: {  	s0 =	sor.u32 s3, s0;
	s1 =	sshll.u32 s1, $0x11  }
0xbc: {  	s0 =	sor.u32 s1, s0  }
0xbd: {  	s0 =	sadd.s32 $0x8F2B, s0  }
0xbe: {  	[sflag:s0] =	ssyncadd.remote.s32 $0x1  }
0xbf: {  	_ =	sfence.sel $0xFFFF  }
0xc0: {  	[dreg:$0x0] =	wrdreg $0xFFFFFFFF;
	(pc) =	sbr.abs _section_cstart, $3  }
0xc1: {  	[dreg:$0x1] =	wrdreg $0xFFFFFFFF  }
0xc2: {  	_ =	task.clear_ibuf [dreg:s6], $0x2FFFF;
	_ =	strace $0x9FFFFFFF  }
0xc3: {  	(tm) =	ssettm $0x7FFFFFFF  }
tec
execute0_lowered:
.L_overlay_start_1:
0x0: {  	(tag) =	ssettag $0x1  }
0x1: {  	s7 =	rddreg [dreg:$0x0]  }
0x2: {  	s2 =	rddreg [dreg:$0x1];
	s1 =	stileid.u32  }
0x3: {  	s0 =	srdreg.scid;
	s6 =	smul.u32 $0x2980, s1  }
0x4: {  	s3 =	rddreg [dreg:$0x2];
	s4 =	simm.s32 $0x0;
	s8 =	smul.u32 $0x9E00, s1  }
0x5: {  	s21 =	simm.s32 $0xF100;
	s12 =	sand.u32 $0x1, s0;
	s9 =	smul.u32 $0x2780, s1  }
0x6: {  	s22 =	simm.s32 $0x1;
	s0 =	rddreg [dreg:$0x3];
	s5 =	smul.u32 $0x29800, s12  }
0x7: {  	s23 =	simm.s32 $0x0;
	[smem:$0x7FF] =	sst s4;
	s10 =	smul.u32 $0x9E000, s12  }
0x8: {  	s31 =	sshll.u32 s1, $0x6;
	_ =	strace $0x80000047;
	s14 =	smul.u32 $0x27800, s12  }
0x9: {  	s16 =	ssub.s32 $0x2, s12;
	p0 =	seq.s32 s12, $0x0;
	s12 =	simm.s32 $0x4A  }
0xa: {  	s26 =	sshrl.u32 s8, $0x3;
	s28 =	sshrl.u32 s9, $0x3;
	s30 =	sshrl.u32 s16, $0x1  }
0xb: {  	s19 =	sadd.s32 s8, s2;
	s20 =	sadd.s32 s9, s3;
	s12 =	simm.s32 @!p0 $0x53  }
0xc: {  	s6 =	sadd.s32 s6, s5;
	s5 =	sadd.s32 $0x3F400, s7;
	s13 =	sadd.s32 s26, s7  }
0xd: {  	s15 =	sadd.s32 s28, s7;
	s10 =	sadd.s32 s8, s10;
	s14 =	sadd.s32 s9, s14  }
0xe: {  	s16 =	ssub.s32 s16, s30;
	s8 =	sor.u32 $0x1C02, s31;
	s6 =	sshrl.u32 s6, $0x3  }
0xf: {  	s10 =	sshrl.u32 s10, $0x3;
	s29 =	sshrl.u32 s14, $0x3;
	s9 =	sadd.s32 $0x66A00, s15  }
0x10: {  	s15 =	smax.u32 s16, $0x1;
	s16 =	sshrl.u32 s19, $0x3;
	s19 =	simm.s32 $0x13880  }
0x11: {  	s11 =	sadd.s32 s6, s7;
	s6 =	sadd.s32 $0x6BA00, s7;
	s17 =	sadd.s32 s10, s7  }
0x12: {  	s18 =	sadd.s32 s29, s7;
	s7 =	sadd.s32 $0x52E00, s13;
	s10 =	sadd.s32 $0xDC00, s11  }
0x13: {  	s11 =	sadd.s32 $0x3600, s11;
	s13 =	sadd.s32 $0x75A00, s17;
	s14 =	sadd.s32 $0x6BC00, s18  }
0x14: {  	s17 =	simm.s32 $0x2;
	s18 =	sshrl.u32 s20, $0x3;
	s20 =	simm.s32 $0x80  }
.LBB2_1:
0x15: {  	[spmem:s16], [sflag:s8] =	dma.local [hbm:s7], $0x13C0  }
0x16: {  	_ =	swait.ge [sflag:s17], $0x13C0  }
0x17: {  	[sflag:s17] =	ssyncset.done $0x0  }
0x18: {  	[sflag:s17] =	ssyncadd.s32 $0xFFFFEC40  }
0x19: {  	[spmem:s18], [sflag:s8] =	dma.local [hbm:s9], $0x4F0  }
0x1a: {  	_ =	swait.ge [sflag:s17], $0x4F0  }
0x1b: {  	[sflag:s17] =	ssyncset.done $0x0  }
0x1c: {  	[sflag:s17] =	ssyncadd.s32 $0xFFFFFB10  }
0x1d: {  	[tilespmem:s19], [sflag:$0x2] =	stream.linear.gather [hbm4b:s6+s4], $0x800, $0x38;
	[tilespmem:$0x14080] =	vst v63  }
0x1e: {  	_ =	swait.ge [sflag:s17], $0x800  }
0x1f: {  	[sflag:s17] =	ssyncset.done $0x0  }
0x20: {  	s24 =	simm.s32 $0x9E00;
	[sflag:s17] =	ssyncadd.s32 $0xFFFFF800  }
0x21: {  	[tilespmem:s24], [sflag:$0x2] =	stream.linear.gather [hbm4b:s10+s4], $0x2980, $0x38;
	[tilespmem:$0x14080] =	vst v63  }
0x22: {  	_ =	swait.ge [sflag:s17], $0x2980  }
0x23: {  	[sflag:s17] =	ssyncset.done $0x0  }
0x24: {  	s25 =	simm.s32 $0xC780;
	[sflag:s17] =	ssyncadd.s32 $0xFFFFD680  }
0x25: {  	[tilespmem:s25], [sflag:$0x2] =	stream.linear.gather [hbm4b:s11+s4], $0x2980, $0x38;
	[tilespmem:$0x14080] =	vst v63  }
0x26: {  	_ =	swait.ge [sflag:s17], $0x2980  }
0x27: {  	[sflag:s17] =	ssyncset.done $0x0  }
0x28: {  	[sflag:s17] =	ssyncadd.s32 $0xFFFFD680  }
0x29: {  	[bflag:$0x0] =	sbarrier.arrive $0xFFFF  }
0x2a: {  	[tilespmem:s21], [sflag:$0x1] =	stream.indirect.gather [hbm4b:s5+s20], $0x40, s24, s20, $0xb8;
	[tilespmem:$0x14080] =	vst v63  }
0x2b: {  	_ =	swait.ge [sflag:s22], $0x2000  }
0x2c: {  	[sflag:s22] =	ssyncset.done $0x0  }
0x2d: {  	[sflag:s22] =	ssyncadd.s32 $0xFFFFE000  }
0x2e: {  	[spmem:s2] =	stream.indirect.scatter.add.f32 [tilespmem:s21], [sflag:$0x2], $0x40, s25, s20, $0xb8;
	[tilespmem:$0x14080] =	vst v63  }
0x2f: {  	p0 =	sne.s32 s12, $0x1;
	_ =	swait.ge [sflag:s17], $0x2000  }
.Ltmp0:
0x30: {  	[sflag:s17] =	ssyncset.done $0x0;
	(pc) =	sbr.rel @!p0 .LBB2_3-.Ltmp0, $4  }
0x31: {  	[sflag:s17] =	ssyncadd.s32 $0xFFFFE000  }
0x32: {  	[spmem:s3] =	stream.indirect.scatter.add.f32 [tilespmem:s19], [sflag:$0x2], $0x10, s25, s20, $0xb8;
	[tilespmem:$0x14080] =	vst v63  }
0x33: {  	_ =	swait.ge [sflag:s17], $0x800  }
0x34: {  	s26 =	sadd.s32 $0xFFFFFFFF, s12;
	[sflag:s17] =	ssyncset.done $0x0  }
.LBB2_2:
0x35: {  	[sflag:s17] =	ssyncadd.s32 $0xFFFFF800;
	s24 =	sadd.s32 $0x80, s24;
	s25 =	sadd.s32 $0x80, s25  }
0x36: {  	[tilespmem:s21], [sflag:$0x1] =	stream.indirect.gather [hbm4b:s5+s20], $0x40, s24, s20, $0xb8;
	[tilespmem:$0x14080] =	vst v63  }
0x37: {  	p0 =	sne.s32 s26, $0x1;
	s26 =	sadd.s32 $0xFFFFFFFF, s26;
	_ =	swait.ge [sflag:s22], $0x2000  }
0x38: {  	[sflag:s22] =	ssyncset.done $0x0  }
0x39: {  	[sflag:s22] =	ssyncadd.s32 $0xFFFFE000  }
0x3a: {  	[spmem:s2] =	stream.indirect.scatter.add.f32 [tilespmem:s21], [sflag:$0x2], $0x40, s25, s20, $0xb8;
	[tilespmem:$0x14080] =	vst v63  }
0x3b: {  	_ =	swait.ge [sflag:s17], $0x2000  }
.Ltmp1:
0x3c: {  	[sflag:s17] =	ssyncset.done $0x0;
	(pc) =	sbr.rel @p0 .LBB2_2-.Ltmp1, $4  }
0x3d: {  	[sflag:s17] =	ssyncadd.s32 $0xFFFFE000  }
0x3e: {  	[spmem:s3] =	stream.indirect.scatter.add.f32 [tilespmem:s19], [sflag:$0x2], $0x10, s25, s20, $0xb8;
	[tilespmem:$0x14080] =	vst v63  }
0x3f: {  	_ =	swait.ge [sflag:s17], $0x800  }
0x40: {  	[sflag:s17] =	ssyncset.done $0x0  }
.LBB2_3:
0x41: {  	[sflag:s17] =	ssyncadd.s32 $0xFFFFF800  }
0x42: {  	[bflag:$0x0] =	sbarrier.arrive $0xFFFF  }
0x43: {  	[hbm:s13], [sflag:s8] =	dma.local [spmem:s16], $0x13C0  }
0x44: {  	s23 =	sadd.s32 $0x1, s23;
	_ =	swait.ge [sflag:s17], $0x13C0  }
0x45: {  	p0 =	sne.s32 s23, s15;
	[sflag:s17] =	ssyncset.done $0x0  }
.Ltmp2:
0x46: {  	[sflag:s17] =	ssyncadd.s32 $0xFFFFEC40;
	(pc) =	sbr.rel @p0 .LBB2_1-.Ltmp2, $4  }
0x47: {  	[hbm:s14], [sflag:s8] =	dma.local [spmem:s18], $0x4F0  }
0x48: {  	_ =	swait.ge [sflag:s17], $0x4F0  }
0x49: {  	[sflag:s17] =	ssyncset.done $0x0  }
0x4a: {  	[sflag:s17] =	ssyncadd.s32 $0xFFFFFB10  }
0x4b: {  	_ =	sfence.sel $0x180000  }
0x4c: {  	[bflag:$0x0] =	sbarrier.arrive $0xFFFF  }
0x4d: {  	p0 =	sne.s32 s1, $0x0;
	_ =	strace $0x90000047  }
0x4e: {  	s0 =	sadd.s32 @!p0 $0x100000, s0;
	[bflag:$0x2] =	sbarrier.arrive $0xFFFF  }
0x4f: {  	[sflag:s0] =	ssyncadd.tile.s32 @!p0 $0x1;
	_ =	shalt  }
.Lfunc_end2:
_tile_overlayer_lowered:
.L_overlay_start_2:
0x50: {  	(tag) =	ssettag $0x2  }
0x51: {  	s0 =	rddreg [dreg:$0x0];
	s2 =	stileid.u32  }
0x52: {  	s1 =	rddreg [dreg:$0x1];
	p0 =	sne.s32 s2, $0x0  }
0x53: {  	s3 =	rddreg [dreg:$0x2];
	[bflag:$0x3] =	sbarrier.arrive $0xFFFF;
	s2 =	simm.s32 @!p0 $0x1C02  }
0x54: {  	[timem:s3], [sflag:s2] =	dma.local @!p0 [hbm:s0], s1  }
0x55: {  	s0 =	simm.s32 @!p0 $0x2  }
0x56: {  	_ =	swait.ge @!p0 [sflag:s0], s1  }
0x57: {  	s1 =	ssub.s32 @!p0 $0x0, s1;
	[sflag:s0] =	ssyncset.done @!p0 $0x0  }
0x58: {  	[sflag:s0] =	ssyncadd.s32 @!p0 s1  }
0x59: {  	[bflag:$0x3] =	sbarrier.arrive $0xFFFF  }
0x5a: {  	_ =	shalt  }

</sc_bundles>
